<compile_context>
chip_gen: v7x
topology: tpu7x:2x2x1
jax: 0.10.2.dev20260603
libtpu: 0.0.44.dev20260713+nightly
codegen_flags: <defaults>
</compile_context>

<pallas_src>
import functools

import jax
import jax.numpy as jnp
from jax import lax
from jax.experimental import pallas as pl
from jax.experimental.pallas import tpu as pltpu
from jax.experimental.pallas import tpu_sc as plsc

B = 8
L = 1024
EMB_DIM = 128
NUM_EMB = 8192
N_FLAT = B * L

def _mm(a, b):
    return jax.lax.dot_general(
        a, b, (((1,), (0,)), ((), ())),
        preferred_element_type=jnp.float32)


def _conv3(h, W, b=None):
    C = h.shape[1]
    zrow = jnp.zeros((1, C), jnp.float32)
    hm = jnp.concatenate([zrow, h[:-1, :]], axis=0)
    hp = jnp.concatenate([h[1:, :], zrow], axis=0)
    y = _mm(hm, W[0:C]) + _mm(h, W[C:2 * C]) + _mm(hp, W[2 * C:3 * C])
    if b is not None:
        y = y + b
    return y


def _resblock(h, wa, wb):
    t = jnp.maximum(h, 0.0)
    t = _conv3(t, wa)
    t = jnp.maximum(t, 0.0)
    t = _mm(t, wb)
    return h + t



def _enc_body(x_ref, w1, b1, w2, b2, w3, b3, r1a, r1b, r2a, r2b, pw, pb,
              z_ref):
    h = x_ref[0]
    h = jnp.maximum(_conv3(h, w1[...], b1[...]), 0.0)
    h = jnp.maximum(_conv3(h, w2[...], b2[...]), 0.0)
    h = _conv3(h, w3[...], b3[...])
    h = _resblock(h, r1a[...], r1b[...])
    h = _resblock(h, r2a[...], r2b[...])
    h = jnp.maximum(h, 0.0)
    z_ref[0] = _mm(h, pw[...]) + pb[...]


def _full2d(arr):
    return pl.BlockSpec(arr.shape, lambda *_: tuple(0 for _ in arr.shape))


def _encode(x8, ws):
    in_specs = [pl.BlockSpec((1, L, 8), lambda b: (b, 0, 0))]
    in_specs += [_full2d(w) for w in ws]
    return pl.pallas_call(
        _enc_body,
        grid=(B,),
        in_specs=in_specs,
        out_specs=pl.BlockSpec((1, L, EMB_DIM), lambda b: (b, 0, 0)),
        out_shape=jax.ShapeDtypeStruct((B, L, EMB_DIM), jnp.float32),
    )(x8, *ws)



_TZ = 1024
_TE = 2048


def _dist_body(z_ref, e_ref, idx_ref, minv, mini):
    ej = pl.program_id(1)
    et = e_ref[...]
    zt = z_ref[...]
    m = jax.lax.dot_general(
        zt, et, (((1,), (1,)), ((), ())),
        preferred_element_type=jnp.float32)
    z2 = jnp.sum(zt * zt, axis=1, keepdims=True)
    ones = jnp.ones((1, EMB_DIM), jnp.float32)
    e2 = jax.lax.dot_general(
        ones, et * et, (((1,), (1,)), ((), ())),
        precision=jax.lax.Precision.HIGHEST,
        preferred_element_type=jnp.float32)
    d = (z2 + e2) - 2.0 * m
    cmin = jnp.min(d, axis=1, keepdims=True)
    gidx = jax.lax.broadcasted_iota(jnp.int32, d.shape, 1) + ej * _TE
    cidx = jnp.min(jnp.where(d == cmin, gidx, jnp.int32(2 ** 30)),
                   axis=1, keepdims=True)

    @pl.when(ej == 0)
    def _():
        minv[...] = cmin
        mini[...] = cidx

    @pl.when(ej > 0)
    def _():
        pv = minv[...]
        pi = mini[...]
        upd = cmin < pv
        minv[...] = jnp.where(upd, cmin, pv)
        mini[...] = jnp.where(upd, cidx, pi)

    idx_ref[...] = mini[...].reshape(1, _TZ, 1)


def _argmin_codes(zflat, emb):
    return pl.pallas_call(
        _dist_body,
        grid=(N_FLAT // _TZ, NUM_EMB // _TE),
        in_specs=[
            pl.BlockSpec((_TZ, EMB_DIM), lambda zi, ej: (zi, 0)),
            pl.BlockSpec((_TE, EMB_DIM), lambda zi, ej: (ej, 0)),
        ],
        out_specs=pl.BlockSpec((1, _TZ, 1), lambda zi, ej: (zi, 0, 0)),
        out_shape=jax.ShapeDtypeStruct((N_FLAT // _TZ, _TZ, 1), jnp.int32),
        scratch_shapes=[
            pltpu.VMEM((_TZ, 1), jnp.float32),
            pltpu.VMEM((_TZ, 1), jnp.int32),
        ],
    )(zflat, emb)



_NC = 2
_NS = 16
_NW = _NC * _NS
_RPW = N_FLAT // _NW
_CH = 128
_NCHUNK = _RPW // _CH


def _sc_body(emb_h, idx_h, q_h, idx_v, rows_v, sem):
    c = lax.axis_index("c")
    s = lax.axis_index("s")
    wid = c * _NS + s
    pltpu.sync_copy(idx_h.at[pl.ds(wid * _NCHUNK, _NCHUNK)], idx_v)
    for j in range(_NCHUNK):
        pltpu.async_copy(emb_h.at[idx_v.at[j]], rows_v, sem).wait()
        pltpu.sync_copy(rows_v, q_h.at[pl.ds(wid * _RPW + j * _CH, _CH)])


def _sc_quantize(emb, idx2d):
    mesh = plsc.VectorSubcoreMesh(
        core_axis_name="c", subcore_axis_name="s",
        num_cores=_NC, num_subcores=_NS)
    f = functools.partial(
        pl.kernel,
        out_type=jax.ShapeDtypeStruct((N_FLAT, EMB_DIM), jnp.float32),
        mesh=mesh,
        scratch_types=[
            pltpu.VMEM((_NCHUNK, _CH), jnp.int32),
            pltpu.VMEM((_CH, EMB_DIM), jnp.float32),
            pltpu.SemaphoreType.DMA,
        ],
    )(_sc_body)
    return f(emb, idx2d)



_TB = 2048


def _cnt_body(idx_ref, cnt_ref):
    kb = pl.program_id(0)
    bins = (jax.lax.broadcasted_iota(jnp.int32, (_TB, 1), 0) + kb * _TB)
    acc = jnp.zeros((_TB, 1), jnp.float32)
    idx_row = idx_ref[...]
    for c in range(N_FLAT // 1024):
        chunk = idx_row[:, c * 1024:(c + 1) * 1024]
        eq = (bins == chunk).astype(jnp.float32)
        acc = acc + jnp.sum(eq, axis=1, keepdims=True)
    cnt_ref[...] = acc


def _count_codes(idx_row):
    return pl.pallas_call(
        _cnt_body,
        grid=(NUM_EMB // _TB,),
        in_specs=[pl.BlockSpec((1, N_FLAT), lambda kb: (0, 0))],
        out_specs=pl.BlockSpec((_TB, 1), lambda kb: (kb, 0)),
        out_shape=jax.ShapeDtypeStruct((NUM_EMB, 1), jnp.float32),
    )(idx_row)



def _dec_body(q_ref, z_ref, cnt_ref, dw1, db1, r1a, r1b, r2a, r2b,
              tw1, tb1, tw2, tb2, rec_ref, loss_ref, perp_ref, acc):
    b = pl.program_id(0)
    q = q_ref[0]
    z = z_ref[0]
    d = _conv3(q, dw1[...], db1[...])
    d = _resblock(d, r1a[...], r1b[...])
    d = _resblock(d, r2a[...], r2b[...])
    d = jnp.maximum(d, 0.0)
    d = jnp.maximum(_conv3(d, tw1[...], tb1[...]), 0.0)
    rec_ref[0] = _conv3(d, tw2[...], tb2[...])

    part = jnp.sum((q - z) ** 2)

    @pl.when(b == 0)
    def _():
        acc[0, 0] = part

    @pl.when(b > 0)
    def _():
        acc[0, 0] = acc[0, 0] + part

    @pl.when(b == B - 1)
    def _():
        loss = 1.25 * acc[0, 0] / (B * L * EMB_DIM)
        loss_ref[...] = jnp.broadcast_to(loss, (1, 1))
        p = cnt_ref[...] * (1.0 / N_FLAT)
        ent = jnp.sum(p * jnp.log(p + 1e-10))
        perp_ref[...] = jnp.broadcast_to(jnp.exp(-ent), (1, 1))


def _decode(q3, z3, cnt, ws):
    in_specs = [
        pl.BlockSpec((1, L, EMB_DIM), lambda b: (b, 0, 0)),
        pl.BlockSpec((1, L, EMB_DIM), lambda b: (b, 0, 0)),
        pl.BlockSpec((NUM_EMB, 1), lambda b: (0, 0)),
    ]
    in_specs += [_full2d(w) for w in ws]
    return pl.pallas_call(
        _dec_body,
        grid=(B,),
        in_specs=in_specs,
        out_specs=[
            pl.BlockSpec((1, L, 8), lambda b: (b, 0, 0)),
            pl.BlockSpec((1, 1), lambda b: (0, 0)),
            pl.BlockSpec((1, 1), lambda b: (0, 0)),
        ],
        out_shape=[
            jax.ShapeDtypeStruct((B, L, 8), jnp.float32),
            jax.ShapeDtypeStruct((1, 1), jnp.float32),
            jax.ShapeDtypeStruct((1, 1), jnp.float32),
        ],
        scratch_shapes=[pltpu.SMEM((1, 1), jnp.float32)],
    )(q3, z3, cnt, *ws)



def _prep3(w, ipad=None):
    mats = []
    for k in range(3):
        wk = jnp.transpose(w[:, :, 1, k])
        if ipad is not None and ipad > wk.shape[0]:
            wk = jnp.pad(wk, ((0, ipad - wk.shape[0]), (0, 0)))
        mats.append(wk)
    return jnp.concatenate(mats, axis=0)


def _prep_t(w):
    wc = jnp.transpose(jnp.flip(w, axis=(2, 3)), (1, 0, 2, 3))
    return _prep3(wc)


def _row(b, opad=None):
    v = b.reshape(1, -1)
    if opad is not None and opad > v.shape[1]:
        v = jnp.pad(v, ((0, 0), (0, opad - v.shape[1])))
    return v


def kernel(x, params):
    p = params
    x8 = jnp.concatenate(
        [x, jnp.zeros((B, L, 1), jnp.float32)], axis=-1)

    enc_ws = (
        _prep3(p['enc_w1'], ipad=8), _row(p['enc_b1']),
        _prep3(p['enc_w2']), _row(p['enc_b2']),
        _prep3(p['enc_w3']), _row(p['enc_b3']),
        _prep3(p['enc_res'][0]['w1']),
        jnp.transpose(p['enc_res'][0]['w2'][:, :, 0, 0]),
        _prep3(p['enc_res'][1]['w1']),
        jnp.transpose(p['enc_res'][1]['w2'][:, :, 0, 0]),
        jnp.transpose(p['pre_vq_w'][:, :, 0, 0]), _row(p['pre_vq_b']),
    )
    z = _encode(x8, enc_ws)
    zflat = z.reshape(N_FLAT, EMB_DIM)

    emb = p['embedding']
    idx = _argmin_codes(zflat, emb)
    idx2d = idx.reshape(_NW * _NCHUNK, _CH)

    q = _sc_quantize(emb, idx2d)
    cnt = _count_codes(idx.reshape(1, N_FLAT))

    dec_ws = (
        _prep3(p['dec_w1']), _row(p['dec_b1']),
        _prep3(p['dec_res'][0]['w1']),
        jnp.transpose(p['dec_res'][0]['w2'][:, :, 0, 0]),
        _prep3(p['dec_res'][1]['w1']),
        jnp.transpose(p['dec_res'][1]['w2'][:, :, 0, 0]),
        _prep_t(p['dec_tw1']), _row(p['dec_tb1']),
        jnp.pad(_prep_t(p['dec_tw2']), ((0, 0), (0, 1))),
        _row(p['dec_tb2'], opad=8),
    )
    rec8, loss, perp = _decode(
        q.reshape(B, L, EMB_DIM), z, cnt, dec_ws)

    x_recon = jnp.transpose(rec8[:, :, :7], (0, 2, 1))[:, :, None, :]
    return loss[0, 0], x_recon, perp[0, 0]

# --- scband reference (transcript-rebuilt; emitter-appended) ---
"""Pipeline reference for scband-model-3582002725180 (READ-ONLY COPY).

The authoritative reference and input builder live on the scoring server;
editing this copy changes nothing except your own understanding.
"""

import jax, jax.numpy as jnp
import numpy as np

NUM_HIDDENS = 128
NUM_RES_HIDDENS = 32
NUM_RES_LAYERS = 2
EMB_DIM = 128
NUM_EMB = 8192
COMMIT = 0.25
B = 8
L = 1024
IN_CH = 7

def conv2d(x, w, b=None, pad=1):
    out = jax.lax.conv_general_dilated(x, w, (1, 1), [(pad, pad), (pad, pad)], dimension_numbers=('NCHW', 'OIHW', 'NCHW'))
    if b is not None:
        out = out + b[None, :, None, None]
    return out

def conv_transpose2d(x, w, b):
    # ConvTranspose2d(stride=1, padding=1, k=3) == conv with flipped, in/out-swapped kernel
    w_c = jnp.flip(w, axis=(2, 3)).transpose(1, 0, 2, 3)
    return conv2d(x, w_c, b, pad=1)

def _conv_init(key, out_c, in_c, kh, kw, bias=True):
    fan_in = in_c * kh * kw
    bound = 1.0 / np.sqrt(fan_in)
    k1, k2 = jax.random.split(key)
    w = jax.random.uniform(k1, (out_c, in_c, kh, kw), jnp.float32, -bound, bound)
    b = jax.random.uniform(k2, (out_c,), jnp.float32, -bound, bound) if bias else None
    return w, b

def _tconv_init(key, in_c, out_c, k):
    fan_in = in_c * k * k
    bound = 1.0 / np.sqrt(fan_in)
    k1, k2 = jax.random.split(key)
    w = jax.random.uniform(k1, (in_c, out_c, k, k), jnp.float32, -bound, bound)
    b = jax.random.uniform(k2, (out_c,), jnp.float32, -bound, bound)
    return w, b

def _res_params(key, in_c):
    k1, k2 = jax.random.split(key)
    w1, _ = _conv_init(k1, NUM_RES_HIDDENS, in_c, 3, 3, bias=False)
    w2, _ = _conv_init(k2, NUM_HIDDENS, NUM_RES_HIDDENS, 1, 1, bias=False)
    return {'w1': w1, 'w2': w2}

def setup_inputs(seed: int = 0):
    key = jax.random.key(seed)
    ks = jax.random.split(key, 16)
    x = jax.random.normal(ks[0], (B, L, IN_CH), jnp.float32)
    p = {}
    p['enc_w1'], p['enc_b1'] = _conv_init(ks[1], NUM_HIDDENS // 2, IN_CH, 3, 3)
    p['enc_w2'], p['enc_b2'] = _conv_init(ks[2], NUM_HIDDENS, NUM_HIDDENS // 2, 3, 3)
    p['enc_w3'], p['enc_b3'] = _conv_init(ks[3], NUM_HIDDENS, NUM_HIDDENS, 3, 3)
    p['enc_res'] = [_res_params(ks[4], NUM_HIDDENS), _res_params(ks[5], NUM_HIDDENS)]
    p['pre_vq_w'], p['pre_vq_b'] = _conv_init(ks[6], EMB_DIM, NUM_HIDDENS, 1, 1)
    p['embedding'] = jax.random.uniform(ks[7], (NUM_EMB, EMB_DIM), jnp.float32, -1.0 / NUM_EMB, 1.0 / NUM_EMB)
    p['dec_w1'], p['dec_b1'] = _conv_init(ks[8], NUM_HIDDENS, EMB_DIM, 3, 3)
    p['dec_res'] = [_res_params(ks[9], NUM_HIDDENS), _res_params(ks[10], NUM_HIDDENS)]
    p['dec_tw1'], p['dec_tb1'] = _tconv_init(ks[11], NUM_HIDDENS, NUM_HIDDENS // 2, 3)
    p['dec_tw2'], p['dec_tb2'] = _tconv_init(ks[12], NUM_HIDDENS // 2, IN_CH, 3)
    return {'x': x, 'params': p}

def residual_stack(x, res_params):
    for rp in res_params:
        h = jax.nn.relu(x)
        h = conv2d(h, rp['w1'], None, pad=1)
        h = jax.nn.relu(h)
        h = conv2d(h, rp['w2'], None, pad=0)
        x = x + h
    return jax.nn.relu(x)

def encoder(x, p):
    x = jax.nn.relu(conv2d(x, p['enc_w1'], p['enc_b1'], pad=1))
    x = jax.nn.relu(conv2d(x, p['enc_w2'], p['enc_b2'], pad=1))
    x = conv2d(x, p['enc_w3'], p['enc_b3'], pad=1)
    return residual_stack(x, p['enc_res'])

def decoder(x, p):
    x = conv2d(x, p['dec_w1'], p['dec_b1'], pad=1)
    x = residual_stack(x, p['dec_res'])
    x = jax.nn.relu(conv_transpose2d(x, p['dec_tw1'], p['dec_tb1']))
    return conv_transpose2d(x, p['dec_tw2'], p['dec_tb2'])

def vector_quantize(z, emb):
    inputs = z.transpose(0, 2, 3, 1)
    input_shape = inputs.shape
    flat = inputs.reshape(-1, EMB_DIM)
    distances = (jnp.sum(flat ** 2, axis=1, keepdims=True) + jnp.sum(emb ** 2, axis=1) - 2.0 * (flat @ emb.T))
    encoding_indices = jnp.argmin(distances, axis=1)
    encodings = jax.nn.one_hot(encoding_indices, NUM_EMB, dtype=flat.dtype)
    quantized = (encodings @ emb).reshape(input_shape)
    e_latent_loss = jnp.mean((jax.lax.stop_gradient(quantized) - inputs) ** 2)
    q_latent_loss = jnp.mean((quantized - jax.lax.stop_gradient(inputs)) ** 2)
    loss = q_latent_loss + COMMIT * e_latent_loss
    quantized = inputs + jax.lax.stop_gradient(quantized - inputs)
    avg_probs = jnp.mean(encodings, axis=0)
    perplexity = jnp.exp(-jnp.sum(avg_probs * jnp.log(avg_probs + 1e-10)))
    return loss, quantized.transpose(0, 3, 1, 2), perplexity, encodings

def model_forward(x, params):
    x4 = x[:, None, :, :].transpose(0, 3, 1, 2)  # [B,7,1,L]
    z = encoder(x4, params)
    z = conv2d(z, params['pre_vq_w'], params['pre_vq_b'], pad=0)
    loss, quantized, perplexity, _ = vector_quantize(z, params['embedding'])
    x_recon = decoder(quantized, params)
    return loss, x_recon, perplexity

def reference(x, params):
    return model_forward(x, params)

if __name__ == "__main__":
    import jax
    _d = setup_inputs()
    print(jax.jit(kernel)(*tuple(_d.values())))

</pallas_src>

<mosaic_0001>
#map = affine_map<(d0, d1) -> (0, 0)>
module attributes {stable_mosaic.version = 14 : i64} {
  func.func @_sc_body(%arg0: i32, %arg1: i32, %arg2: memref<8192x128xf32, #tpu.memory_space<hbm>>, %arg3: memref<64x128xi32, #tpu.memory_space<hbm>>, %arg4: memref<8192x128xf32, #tpu.memory_space<hbm>>, %arg5: memref<2x128xi32, #tpu.memory_space<vmem>>, %arg6: memref<128x128xf32, #tpu.memory_space<vmem>>, %arg7: memref<!tpu.dma_semaphore, #tpu.memory_space<semaphore_mem>>) attributes {dimension_semantics = [#tpu.dimension_semantics<core_parallel>, #tpu.dimension_semantics<subcore_parallel>], iteration_bounds = array<i64: 2, 16>, scalar_prefetch = 0 : i64, scratch_operands = 3 : i64, tpu.core_type = #tpu.core_type<sc_vector_subcore>, window_params = [{transform_indices = #map}, {transform_indices = #map}, {transform_indices = #map}]} {
    %mul3A = arith.constant 16 : i32
    %mul3A_0 = arith.muli %arg0, %mul3A : i32
    %add3A = arith.addi %mul3A_0, %arg1 : i32
    %mul3A_1 = arith.constant 2 : i32
    %mul3A_2 = arith.muli %add3A, %mul3A_1 : i32
    "tpu.region"() ({
      %run_scoped3A = tpu.sem_alloc : memref<!tpu.dma_semaphore, #tpu.memory_space<semaphore_mem>>
      %dma_start3A_37 = arith.constant 0 : i32
      %dma_start3A_38 = tpu.memref_slice %arg3[%mul3A_2, %dma_start3A_37] : memref<64x128xi32, #tpu.memory_space<hbm>> -> memref<2x128xi32, #tpu.memory_space<hbm>>
      %dma_start3A_39 = arith.constant 0 : i32
      %dma_start3A_40 = tpu.memref_slice %arg3[%mul3A_2, %dma_start3A_39] : memref<64x128xi32, #tpu.memory_space<hbm>> -> memref<2x128xi32, #tpu.memory_space<hbm>>
      tpu.enqueue_dma source(%dma_start3A_40 : memref<2x128xi32, #tpu.memory_space<hbm>>) target(%arg5 : memref<2x128xi32, #tpu.memory_space<vmem>>) target_semaphore(%run_scoped3A : memref<!tpu.dma_semaphore, #tpu.memory_space<semaphore_mem>>)
      %dma_wait3A_41 = arith.constant 0 : i32
      %dma_wait3A_42 = tpu.memref_slice %arg3[%mul3A_2, %dma_wait3A_41] : memref<64x128xi32, #tpu.memory_space<hbm>> -> memref<2x128xi32, #tpu.memory_space<hbm>>
      %dma_wait3A_43 = arith.constant 0 : i32
      %dma_wait3A_44 = tpu.memref_slice %arg3[%mul3A_2, %dma_wait3A_43] : memref<64x128xi32, #tpu.memory_space<hbm>> -> memref<2x128xi32, #tpu.memory_space<hbm>>
      tpu.wait_dma2 semaphore(%run_scoped3A : memref<!tpu.dma_semaphore, #tpu.memory_space<semaphore_mem>>) src(%dma_wait3A_44 : memref<2x128xi32, #tpu.memory_space<hbm>>) dst(%arg5 : memref<2x128xi32, #tpu.memory_space<vmem>>)
      tpu.yield
    }) : () -> ()
    %dma_start3A = arith.constant 0 : i32
    %dma_start3A_3 = arith.constant 0 : i32
    %dma_start3A_4 = tpu.memref_slice %arg5[%dma_start3A, %dma_start3A_3] : memref<2x128xi32, #tpu.memory_space<vmem>> -> memref<1x128xi32, #tpu.memory_space<vmem>>
    %dma_start3A_5 = tpu.memref_squeeze %dma_start3A_4 : memref<1x128xi32, #tpu.memory_space<vmem>> -> memref<128xi32, #tpu.memory_space<vmem>>
    %dma_start3A_6 = arith.constant 0 : i32
    %dma_start3A_7 = arith.constant 0 : i32
    %dma_start3A_8 = tpu.memref_slice %arg2[%dma_start3A_6, %dma_start3A_7] : memref<8192x128xf32, #tpu.memory_space<hbm>> -> memref<8192x128xf32, #tpu.memory_space<hbm>>
    tpu.enqueue_indirect_dma source(%dma_start3A_8 : memref<8192x128xf32, #tpu.memory_space<hbm>>) target(%arg6 : memref<128x128xf32, #tpu.memory_space<vmem>>) offsets(%dma_start3A_5 : memref<128xi32, #tpu.memory_space<vmem>>) semaphore(%arg7 : memref<!tpu.dma_semaphore, #tpu.memory_space<semaphore_mem>>)
    %dma_wait3A = arith.constant 0 : i32
    %dma_wait3A_9 = arith.constant 0 : i32
    %dma_wait3A_10 = tpu.memref_slice %arg5[%dma_wait3A, %dma_wait3A_9] : memref<2x128xi32, #tpu.memory_space<vmem>> -> memref<1x128xi32, #tpu.memory_space<vmem>>
    %dma_wait3A_11 = tpu.memref_squeeze %dma_wait3A_10 : memref<1x128xi32, #tpu.memory_space<vmem>> -> memref<128xi32, #tpu.memory_space<vmem>>
    %dma_wait3A_12 = arith.constant 0 : i32
    %dma_wait3A_13 = arith.constant 0 : i32
    %dma_wait3A_14 = tpu.memref_slice %arg2[%dma_wait3A_12, %dma_wait3A_13] : memref<8192x128xf32, #tpu.memory_space<hbm>> -> memref<8192x128xf32, #tpu.memory_space<hbm>>
    tpu.wait_indirect_dma semaphore(%arg7 : memref<!tpu.dma_semaphore, #tpu.memory_space<semaphore_mem>>) src(%dma_wait3A_14 : memref<8192x128xf32, #tpu.memory_space<hbm>>) dst(%arg6 : memref<128x128xf32, #tpu.memory_space<vmem>>)
    %mul3A_15 = arith.constant 256 : i32
    %mul3A_16 = arith.muli %add3A, %mul3A_15 : i32
    %add3A_17 = arith.constant 0 : i32
    %add3A_18 = arith.addi %mul3A_16, %add3A_17 : i32
    "tpu.region"() ({
      %run_scoped3A = tpu.sem_alloc : memref<!tpu.dma_semaphore, #tpu.memory_space<semaphore_mem>>
      %dma_start3A_37 = arith.constant 0 : i32
      %dma_start3A_38 = tpu.memref_slice %arg4[%add3A_18, %dma_start3A_37] : memref<8192x128xf32, #tpu.memory_space<hbm>> -> memref<128x128xf32, #tpu.memory_space<hbm>>
      %dma_start3A_39 = arith.constant 0 : i32
      %dma_start3A_40 = tpu.memref_slice %arg4[%add3A_18, %dma_start3A_39] : memref<8192x128xf32, #tpu.memory_space<hbm>> -> memref<128x128xf32, #tpu.memory_space<hbm>>
      tpu.enqueue_dma source(%arg6 : memref<128x128xf32, #tpu.memory_space<vmem>>) target(%dma_start3A_40 : memref<128x128xf32, #tpu.memory_space<hbm>>) target_semaphore(%run_scoped3A : memref<!tpu.dma_semaphore, #tpu.memory_space<semaphore_mem>>)
      %dma_wait3A_41 = arith.constant 0 : i32
      %dma_wait3A_42 = tpu.memref_slice %arg4[%add3A_18, %dma_wait3A_41] : memref<8192x128xf32, #tpu.memory_space<hbm>> -> memref<128x128xf32, #tpu.memory_space<hbm>>
      %dma_wait3A_43 = arith.constant 0 : i32
      %dma_wait3A_44 = tpu.memref_slice %arg4[%add3A_18, %dma_wait3A_43] : memref<8192x128xf32, #tpu.memory_space<hbm>> -> memref<128x128xf32, #tpu.memory_space<hbm>>
      tpu.wait_dma2 semaphore(%run_scoped3A : memref<!tpu.dma_semaphore, #tpu.memory_space<semaphore_mem>>) src(%arg6 : memref<128x128xf32, #tpu.memory_space<vmem>>) dst(%dma_wait3A_44 : memref<128x128xf32, #tpu.memory_space<hbm>>)
      tpu.yield
    }) : () -> ()
    %dma_start3A_19 = arith.constant 1 : i32
    %dma_start3A_20 = arith.constant 0 : i32
    %dma_start3A_21 = tpu.memref_slice %arg5[%dma_start3A_19, %dma_start3A_20] : memref<2x128xi32, #tpu.memory_space<vmem>> -> memref<1x128xi32, #tpu.memory_space<vmem>>
    %dma_start3A_22 = tpu.memref_squeeze %dma_start3A_21 : memref<1x128xi32, #tpu.memory_space<vmem>> -> memref<128xi32, #tpu.memory_space<vmem>>
    %dma_start3A_23 = arith.constant 0 : i32
    %dma_start3A_24 = arith.constant 0 : i32
    %dma_start3A_25 = tpu.memref_slice %arg2[%dma_start3A_23, %dma_start3A_24] : memref<8192x128xf32, #tpu.memory_space<hbm>> -> memref<8192x128xf32, #tpu.memory_space<hbm>>
    tpu.enqueue_indirect_dma source(%dma_start3A_25 : memref<8192x128xf32, #tpu.memory_space<hbm>>) target(%arg6 : memref<128x128xf32, #tpu.memory_space<vmem>>) offsets(%dma_start3A_22 : memref<128xi32, #tpu.memory_space<vmem>>) semaphore(%arg7 : memref<!tpu.dma_semaphore, #tpu.memory_space<semaphore_mem>>)
    %dma_wait3A_26 = arith.constant 1 : i32
    %dma_wait3A_27 = arith.constant 0 : i32
    %dma_wait3A_28 = tpu.memref_slice %arg5[%dma_wait3A_26, %dma_wait3A_27] : memref<2x128xi32, #tpu.memory_space<vmem>> -> memref<1x128xi32, #tpu.memory_space<vmem>>
    %dma_wait3A_29 = tpu.memref_squeeze %dma_wait3A_28 : memref<1x128xi32, #tpu.memory_space<vmem>> -> memref<128xi32, #tpu.memory_space<vmem>>
    %dma_wait3A_30 = arith.constant 0 : i32
    %dma_wait3A_31 = arith.constant 0 : i32
    %dma_wait3A_32 = tpu.memref_slice %arg2[%dma_wait3A_30, %dma_wait3A_31] : memref<8192x128xf32, #tpu.memory_space<hbm>> -> memref<8192x128xf32, #tpu.memory_space<hbm>>
    tpu.wait_indirect_dma semaphore(%arg7 : memref<!tpu.dma_semaphore, #tpu.memory_space<semaphore_mem>>) src(%dma_wait3A_32 : memref<8192x128xf32, #tpu.memory_space<hbm>>) dst(%arg6 : memref<128x128xf32, #tpu.memory_space<vmem>>)
    %mul3A_33 = arith.constant 256 : i32
    %mul3A_34 = arith.muli %add3A, %mul3A_33 : i32
    %add3A_35 = arith.constant 128 : i32
    %add3A_36 = arith.addi %mul3A_34, %add3A_35 : i32
    "tpu.region"() ({
      %run_scoped3A = tpu.sem_alloc : memref<!tpu.dma_semaphore, #tpu.memory_space<semaphore_mem>>
      %dma_start3A_37 = arith.constant 0 : i32
      %dma_start3A_38 = tpu.memref_slice %arg4[%add3A_36, %dma_start3A_37] : memref<8192x128xf32, #tpu.memory_space<hbm>> -> memref<128x128xf32, #tpu.memory_space<hbm>>
      %dma_start3A_39 = arith.constant 0 : i32
      %dma_start3A_40 = tpu.memref_slice %arg4[%add3A_36, %dma_start3A_39] : memref<8192x128xf32, #tpu.memory_space<hbm>> -> memref<128x128xf32, #tpu.memory_space<hbm>>
      tpu.enqueue_dma source(%arg6 : memref<128x128xf32, #tpu.memory_space<vmem>>) target(%dma_start3A_40 : memref<128x128xf32, #tpu.memory_space<hbm>>) target_semaphore(%run_scoped3A : memref<!tpu.dma_semaphore, #tpu.memory_space<semaphore_mem>>)
      %dma_wait3A_41 = arith.constant 0 : i32
      %dma_wait3A_42 = tpu.memref_slice %arg4[%add3A_36, %dma_wait3A_41] : memref<8192x128xf32, #tpu.memory_space<hbm>> -> memref<128x128xf32, #tpu.memory_space<hbm>>
      %dma_wait3A_43 = arith.constant 0 : i32
      %dma_wait3A_44 = tpu.memref_slice %arg4[%add3A_36, %dma_wait3A_43] : memref<8192x128xf32, #tpu.memory_space<hbm>> -> memref<128x128xf32, #tpu.memory_space<hbm>>
      tpu.wait_dma2 semaphore(%run_scoped3A : memref<!tpu.dma_semaphore, #tpu.memory_space<semaphore_mem>>) src(%arg6 : memref<128x128xf32, #tpu.memory_space<vmem>>) dst(%dma_wait3A_44 : memref<128x128xf32, #tpu.memory_space<hbm>>)
      tpu.yield
    }) : () -> ()
    return
  }
}

module attributes {stable_mosaic.version = 14 : i64} {
  func.func @_enc_body(%arg0: i32, %arg1: memref<1x1024x8xf32, #tpu.memory_space<vmem>>, %arg2: memref<24x64xf32, #tpu.memory_space<vmem>>, %arg3: memref<1x64xf32, #tpu.memory_space<vmem>>, %arg4: memref<192x128xf32, #tpu.memory_space<vmem>>, %arg5: memref<1x128xf32, #tpu.memory_space<vmem>>, %arg6: memref<384x128xf32, #tpu.memory_space<vmem>>, %arg7: memref<1x128xf32, #tpu.memory_space<vmem>>, %arg8: memref<384x32xf32, #tpu.memory_space<vmem>>, %arg9: memref<32x128xf32, #tpu.memory_space<vmem>>, %arg10: memref<384x32xf32, #tpu.memory_space<vmem>>, %arg11: memref<32x128xf32, #tpu.memory_space<vmem>>, %arg12: memref<128x128xf32, #tpu.memory_space<vmem>>, %arg13: memref<1x128xf32, #tpu.memory_space<vmem>>, %arg14: memref<1x1024x128xf32, #tpu.memory_space<vmem>>) attributes {dimension_semantics = [#tpu.dimension_semantics<arbitrary>], iteration_bounds = array<i64: 8>, scalar_prefetch = 0 : i64, scratch_operands = 0 : i64, tpu.core_type = #tpu.core_type<tc>, window_params = [{transform_indices = @transform_0, window_bounds = array<i64: 1, 1024, 8>}, {pipeline_mode = #tpu.pipeline_mode<synchronous>, transform_indices = @transform_1, window_bounds = array<i64: 24, 64>}, {pipeline_mode = #tpu.pipeline_mode<synchronous>, transform_indices = @transform_2, window_bounds = array<i64: 1, 64>}, {pipeline_mode = #tpu.pipeline_mode<synchronous>, transform_indices = @transform_3, window_bounds = array<i64: 192, 128>}, {pipeline_mode = #tpu.pipeline_mode<synchronous>, transform_indices = @transform_4, window_bounds = array<i64: 1, 128>}, {pipeline_mode = #tpu.pipeline_mode<synchronous>, transform_indices = @transform_5, window_bounds = array<i64: 384, 128>}, {pipeline_mode = #tpu.pipeline_mode<synchronous>, transform_indices = @transform_6, window_bounds = array<i64: 1, 128>}, {pipeline_mode = #tpu.pipeline_mode<synchronous>, transform_indices = @transform_7, window_bounds = array<i64: 384, 32>}, {pipeline_mode = #tpu.pipeline_mode<synchronous>, transform_indices = @transform_8, window_bounds = array<i64: 32, 128>}, {pipeline_mode = #tpu.pipeline_mode<synchronous>, transform_indices = @transform_9, window_bounds = array<i64: 384, 32>}, {pipeline_mode = #tpu.pipeline_mode<synchronous>, transform_indices = @transform_10, window_bounds = array<i64: 32, 128>}, {pipeline_mode = #tpu.pipeline_mode<synchronous>, transform_indices = @transform_11, window_bounds = array<i64: 128, 128>}, {pipeline_mode = #tpu.pipeline_mode<synchronous>, transform_indices = @transform_12, window_bounds = array<i64: 1, 128>}, {transform_indices = @transform_13, window_bounds = array<i64: 1, 1024, 128>}]} {
    %get3A = arith.constant 0 : index
    %get3A_0 = arith.constant 0 : index
    %get3A_1 = arith.constant 0 : index
    %get3A_2 = vector.load %arg1[%get3A, %get3A_0, %get3A_1] : memref<1x1024x8xf32, #tpu.memory_space<vmem>>, vector<1x1024x8xf32>
    %get3A_3 = vector.shape_cast %get3A_2 : vector<1x1024x8xf32> to vector<1024x8xf32>
    %get3A_4 = arith.constant 0 : index
    %get3A_5 = arith.constant 0 : index
    %get3A_6 = vector.load %arg2[%get3A_4, %get3A_5] : memref<24x64xf32, #tpu.memory_space<vmem>>, vector<24x64xf32>
    %get3A_7 = arith.constant 0 : index
    %get3A_8 = arith.constant 0 : index
    %get3A_9 = vector.load %arg3[%get3A_7, %get3A_8] : memref<1x64xf32, #tpu.memory_space<vmem>>, vector<1x64xf32>
    %broadcast_in_dim3A = arith.constant 0.000000e+00 : f32
    %broadcast_in_dim3A_10 = vector.broadcast %broadcast_in_dim3A : f32 to vector<1x8xf32>
    %slice3A = vector.extract_strided_slice %get3A_3 {offsets = [0, 0], sizes = [1023, 8], strides = [1, 1]} : vector<1024x8xf32> to vector<1023x8xf32>
    %concatenate3A = tpu.concatenate %broadcast_in_dim3A_10, %slice3A in 0 : vector<1x8xf32>, vector<1023x8xf32> -> vector<1024x8xf32>
    %slice3A_11 = vector.extract_strided_slice %get3A_3 {offsets = [1, 0], sizes = [1023, 8], strides = [1, 1]} : vector<1024x8xf32> to vector<1023x8xf32>
    %concatenate3A_12 = tpu.concatenate %slice3A_11, %broadcast_in_dim3A_10 in 0 : vector<1023x8xf32>, vector<1x8xf32> -> vector<1024x8xf32>
    %slice3A_13 = vector.extract_strided_slice %get3A_6 {offsets = [0, 0], sizes = [8, 64], strides = [1, 1]} : vector<24x64xf32> to vector<8x64xf32>
    %dot_general3A = arith.constant dense<0.000000e+00> : vector<1024x64xf32>
    %dot_general3A_14 = tpu.matmul %concatenate3A, %slice3A_13, %dot_general3A {dimension_numbers = #tpu.dot_dimension_numbers<[1], [0], [0], [1], [0, 0, 1, 1], [], []>, transpose_lhs_hint = false} : vector<1024x8xf32>, vector<8x64xf32>, vector<1024x64xf32> -> vector<1024x64xf32>
    %slice3A_15 = vector.extract_strided_slice %get3A_6 {offsets = [8, 0], sizes = [8, 64], strides = [1, 1]} : vector<24x64xf32> to vector<8x64xf32>
    %dot_general3A_16 = arith.constant dense<0.000000e+00> : vector<1024x64xf32>
    %dot_general3A_17 = tpu.matmul %get3A_3, %slice3A_15, %dot_general3A_16 {dimension_numbers = #tpu.dot_dimension_numbers<[1], [0], [0], [1], [0, 0, 1, 1], [], []>, transpose_lhs_hint = false} : vector<1024x8xf32>, vector<8x64xf32>, vector<1024x64xf32> -> vector<1024x64xf32>
    %add3A = arith.addf %dot_general3A_14, %dot_general3A_17 : vector<1024x64xf32>
    %slice3A_18 = vector.extract_strided_slice %get3A_6 {offsets = [16, 0], sizes = [8, 64], strides = [1, 1]} : vector<24x64xf32> to vector<8x64xf32>
    %dot_general3A_19 = arith.constant dense<0.000000e+00> : vector<1024x64xf32>
    %dot_general3A_20 = tpu.matmul %concatenate3A_12, %slice3A_18, %dot_general3A_19 {dimension_numbers = #tpu.dot_dimension_numbers<[1], [0], [0], [1], [0, 0, 1, 1], [], []>, transpose_lhs_hint = false} : vector<1024x8xf32>, vector<8x64xf32>, vector<1024x64xf32> -> vector<1024x64xf32>
    %add3A_21 = arith.addf %add3A, %dot_general3A_20 : vector<1024x64xf32>
    %add3A_22 = vector.broadcast %get3A_9 : vector<1x64xf32> to vector<1024x64xf32>
    %add3A_23 = arith.addf %add3A_21, %add3A_22 : vector<1024x64xf32>
    %max3A = arith.constant 0.000000e+00 : f32
    %max3A_24 = vector.broadcast %max3A : f32 to vector<1024x64xf32>
    %max3A_25 = arith.maximumf %add3A_23, %max3A_24 : vector<1024x64xf32>
    %get3A_26 = arith.constant 0 : index
    %get3A_27 = arith.constant 0 : index
    %get3A_28 = vector.load %arg4[%get3A_26, %get3A_27] : memref<192x128xf32, #tpu.memory_space<vmem>>, vector<192x128xf32>
    %get3A_29 = arith.constant 0 : index
    %get3A_30 = arith.constant 0 : index
    %get3A_31 = vector.load %arg5[%get3A_29, %get3A_30] : memref<1x128xf32, #tpu.memory_space<vmem>>, vector<1x128xf32>
    %broadcast_in_dim3A_32 = arith.constant 0.000000e+00 : f32
    %broadcast_in_dim3A_33 = vector.broadcast %broadcast_in_dim3A_32 : f32 to vector<1x64xf32>
    %slice3A_34 = vector.extract_strided_slice %max3A_25 {offsets = [0, 0], sizes = [1023, 64], strides = [1, 1]} : vector<1024x64xf32> to vector<1023x64xf32>
    %concatenate3A_35 = tpu.concatenate %broadcast_in_dim3A_33, %slice3A_34 in 0 : vector<1x64xf32>, vector<1023x64xf32> -> vector<1024x64xf32>
    %slice3A_36 = vector.extract_strided_slice %max3A_25 {offsets = [1, 0], sizes = [1023, 64], strides = [1, 1]} : vector<1024x64xf32> to vector<1023x64xf32>
    %concatenate3A_37 = tpu.concatenate %slice3A_36, %broadcast_in_dim3A_33 in 0 : vector<1023x64xf32>, vector<1x64xf32> -> vector<1024x64xf32>
    %slice3A_38 = vector.extract_strided_slice %get3A_28 {offsets = [0, 0], sizes = [64, 128], strides = [1, 1]} : vector<192x128xf32> to vector<64x128xf32>
    %dot_general3A_39 = arith.constant dense<0.000000e+00> : vector<1024x128xf32>
    %dot_general3A_40 = tpu.matmul %concatenate3A_35, %slice3A_38, %dot_general3A_39 {dimension_numbers = #tpu.dot_dimension_numbers<[1], [0], [0], [1], [0, 0, 1, 1], [], []>, transpose_lhs_hint = false} : vector<1024x64xf32>, vector<64x128xf32>, vector<1024x128xf32> -> vector<1024x128xf32>
    %slice3A_41 = vector.extract_strided_slice %get3A_28 {offsets = [64, 0], sizes = [64, 128], strides = [1, 1]} : vector<192x128xf32> to vector<64x128xf32>
    %dot_general3A_42 = arith.constant dense<0.000000e+00> : vector<1024x128xf32>
    %dot_general3A_43 = tpu.matmul %max3A_25, %slice3A_41, %dot_general3A_42 {dimension_numbers = #tpu.dot_dimension_numbers<[1], [0], [0], [1], [0, 0, 1, 1], [], []>, transpose_lhs_hint = false} : vector<1024x64xf32>, vector<64x128xf32>, vector<1024x128xf32> -> vector<1024x128xf32>
    %add3A_44 = arith.addf %dot_general3A_40, %dot_general3A_43 : vector<1024x128xf32>
    %slice3A_45 = vector.extract_strided_slice %get3A_28 {offsets = [128, 0], sizes = [64, 128], strides = [1, 1]} : vector<192x128xf32> to vector<64x128xf32>
    %dot_general3A_46 = arith.constant dense<0.000000e+00> : vector<1024x128xf32>
    %dot_general3A_47 = tpu.matmul %concatenate3A_37, %slice3A_45, %dot_general3A_46 {dimension_numbers = #tpu.dot_dimension_numbers<[1], [0], [0], [1], [0, 0, 1, 1], [], []>, transpose_lhs_hint = false} : vector<1024x64xf32>, vector<64x128xf32>, vector<1024x128xf32> -> vector<1024x128xf32>
    %add3A_48 = arith.addf %add3A_44, %dot_general3A_47 : vector<1024x128xf32>
    %add3A_49 = vector.broadcast %get3A_31 : vector<1x128xf32> to vector<1024x128xf32>
    %add3A_50 = arith.addf %add3A_48, %add3A_49 : vector<1024x128xf32>
    %max3A_51 = arith.constant 0.000000e+00 : f32
    %max3A_52 = vector.broadcast %max3A_51 : f32 to vector<1024x128xf32>
    %max3A_53 = arith.maximumf %add3A_50, %max3A_52 : vector<1024x128xf32>
    %get3A_54 = arith.constant 0 : index
    %get3A_55 = arith.constant 0 : index
    %get3A_56 = vector.load %arg6[%get3A_54, %get3A_55] : memref<384x128xf32, #tpu.memory_space<vmem>>, vector<384x128xf32>
    %get3A_57 = arith.constant 0 : index
    %get3A_58 = arith.constant 0 : index
    %get3A_59 = vector.load %arg7[%get3A_57, %get3A_58] : memref<1x128xf32, #tpu.memory_space<vmem>>, vector<1x128xf32>
    %broadcast_in_dim3A_60 = arith.constant 0.000000e+00 : f32
    %broadcast_in_dim3A_61 = vector.broadcast %broadcast_in_dim3A_60 : f32 to vector<1x128xf32>
    %slice3A_62 = vector.extract_strided_slice %max3A_53 {offsets = [0, 0], sizes = [1023, 128], strides = [1, 1]} : vector<1024x128xf32> to vector<1023x128xf32>
    %concatenate3A_63 = tpu.concatenate %broadcast_in_dim3A_61, %slice3A_62 in 0 : vector<1x128xf32>, vector<1023x128xf32> -> vector<1024x128xf32>
    %slice3A_64 = vector.extract_strided_slice %max3A_53 {offsets = [1, 0], sizes = [1023, 128], strides = [1, 1]} : vector<1024x128xf32> to vector<1023x128xf32>
    %concatenate3A_65 = tpu.concatenate %slice3A_64, %broadcast_in_dim3A_61 in 0 : vector<1023x128xf32>, vector<1x128xf32> -> vector<1024x128xf32>
    %slice3A_66 = vector.extract_strided_slice %get3A_56 {offsets = [0, 0], sizes = [128, 128], strides = [1, 1]} : vector<384x128xf32> to vector<128x128xf32>
    %dot_general3A_67 = arith.constant dense<0.000000e+00> : vector<1024x128xf32>
    %dot_general3A_68 = tpu.matmul %concatenate3A_63, %slice3A_66, %dot_general3A_67 {dimension_numbers = #tpu.dot_dimension_numbers<[1], [0], [0], [1], [0, 0, 1, 1], [], []>, transpose_lhs_hint = false} : vector<1024x128xf32>, vector<128x128xf32>, vector<1024x128xf32> -> vector<1024x128xf32>
    %slice3A_69 = vector.extract_strided_slice %get3A_56 {offsets = [128, 0], sizes = [128, 128], strides = [1, 1]} : vector<384x128xf32> to vector<128x128xf32>
    %dot_general3A_70 = arith.constant dense<0.000000e+00> : vector<1024x128xf32>
    %dot_general3A_71 = tpu.matmul %max3A_53, %slice3A_69, %dot_general3A_70 {dimension_numbers = #tpu.dot_dimension_numbers<[1], [0], [0], [1], [0, 0, 1, 1], [], []>, transpose_lhs_hint = false} : vector<1024x128xf32>, vector<128x128xf32>, vector<1024x128xf32> -> vector<1024x128xf32>
    %add3A_72 = arith.addf %dot_general3A_68, %dot_general3A_71 : vector<1024x128xf32>
    %slice3A_73 = vector.extract_strided_slice %get3A_56 {offsets = [256, 0], sizes = [128, 128], strides = [1, 1]} : vector<384x128xf32> to vector<128x128xf32>
    %dot_general3A_74 = arith.constant dense<0.000000e+00> : vector<1024x128xf32>
    %dot_general3A_75 = tpu.matmul %concatenate3A_65, %slice3A_73, %dot_general3A_74 {dimension_numbers = #tpu.dot_dimension_numbers<[1], [0], [0], [1], [0, 0, 1, 1], [], []>, transpose_lhs_hint = false} : vector<1024x128xf32>, vector<128x128xf32>, vector<1024x128xf32> -> vector<1024x128xf32>
    %add3A_76 = arith.addf %add3A_72, %dot_general3A_75 : vector<1024x128xf32>
    %add3A_77 = vector.broadcast %get3A_59 : vector<1x128xf32> to vector<1024x128xf32>
    %add3A_78 = arith.addf %add3A_76, %add3A_77 : vector<1024x128xf32>
    %get3A_79 = arith.constant 0 : index
    %get3A_80 = arith.constant 0 : index
    %get3A_81 = vector.load %arg8[%get3A_79, %get3A_80] : memref<384x32xf32, #tpu.memory_space<vmem>>, vector<384x32xf32>
    %get3A_82 = arith.constant 0 : index
    %get3A_83 = arith.constant 0 : index
    %get3A_84 = vector.load %arg9[%get3A_82, %get3A_83] : memref<32x128xf32, #tpu.memory_space<vmem>>, vector<32x128xf32>
    %max3A_85 = arith.constant 0.000000e+00 : f32
    %max3A_86 = vector.broadcast %max3A_85 : f32 to vector<1024x128xf32>
    %max3A_87 = arith.maximumf %add3A_78, %max3A_86 : vector<1024x128xf32>
    %broadcast_in_dim3A_88 = arith.constant 0.000000e+00 : f32
    %broadcast_in_dim3A_89 = vector.broadcast %broadcast_in_dim3A_88 : f32 to vector<1x128xf32>
    %slice3A_90 = vector.extract_strided_slice %max3A_87 {offsets = [0, 0], sizes = [1023, 128], strides = [1, 1]} : vector<1024x128xf32> to vector<1023x128xf32>
    %concatenate3A_91 = tpu.concatenate %broadcast_in_dim3A_89, %slice3A_90 in 0 : vector<1x128xf32>, vector<1023x128xf32> -> vector<1024x128xf32>
    %slice3A_92 = vector.extract_strided_slice %max3A_87 {offsets = [1, 0], sizes = [1023, 128], strides = [1, 1]} : vector<1024x128xf32> to vector<1023x128xf32>
    %concatenate3A_93 = tpu.concatenate %slice3A_92, %broadcast_in_dim3A_89 in 0 : vector<1023x128xf32>, vector<1x128xf32> -> vector<1024x128xf32>
    %slice3A_94 = vector.extract_strided_slice %get3A_81 {offsets = [0, 0], sizes = [128, 32], strides = [1, 1]} : vector<384x32xf32> to vector<128x32xf32>
    %dot_general3A_95 = arith.constant dense<0.000000e+00> : vector<1024x32xf32>
    %dot_general3A_96 = tpu.matmul %concatenate3A_91, %slice3A_94, %dot_general3A_95 {dimension_numbers = #tpu.dot_dimension_numbers<[1], [0], [0], [1], [0, 0, 1, 1], [], []>, transpose_lhs_hint = false} : vector<1024x128xf32>, vector<128x32xf32>, vector<1024x32xf32> -> vector<1024x32xf32>
    %slice3A_97 = vector.extract_strided_slice %get3A_81 {offsets = [128, 0], sizes = [128, 32], strides = [1, 1]} : vector<384x32xf32> to vector<128x32xf32>
    %dot_general3A_98 = arith.constant dense<0.000000e+00> : vector<1024x32xf32>
    %dot_general3A_99 = tpu.matmul %max3A_87, %slice3A_97, %dot_general3A_98 {dimension_numbers = #tpu.dot_dimension_numbers<[1], [0], [0], [1], [0, 0, 1, 1], [], []>, transpose_lhs_hint = false} : vector<1024x128xf32>, vector<128x32xf32>, vector<1024x32xf32> -> vector<1024x32xf32>
    %add3A_100 = arith.addf %dot_general3A_96, %dot_general3A_99 : vector<1024x32xf32>
    %slice3A_101 = vector.extract_strided_slice %get3A_81 {offsets = [256, 0], sizes = [128, 32], strides = [1, 1]} : vector<384x32xf32> to vector<128x32xf32>
    %dot_general3A_102 = arith.constant dense<0.000000e+00> : vector<1024x32xf32>
    %dot_general3A_103 = tpu.matmul %concatenate3A_93, %slice3A_101, %dot_general3A_102 {dimension_numbers = #tpu.dot_dimension_numbers<[1], [0], [0], [1], [0, 0, 1, 1], [], []>, transpose_lhs_hint = false} : vector<1024x128xf32>, vector<128x32xf32>, vector<1024x32xf32> -> vector<1024x32xf32>
    %add3A_104 = arith.addf %add3A_100, %dot_general3A_103 : vector<1024x32xf32>
    %max3A_105 = arith.constant 0.000000e+00 : f32
    %max3A_106 = vector.broadcast %max3A_105 : f32 to vector<1024x32xf32>
    %max3A_107 = arith.maximumf %add3A_104, %max3A_106 : vector<1024x32xf32>
    %dot_general3A_108 = arith.constant dense<0.000000e+00> : vector<1024x128xf32>
    %dot_general3A_109 = tpu.matmul %max3A_107, %get3A_84, %dot_general3A_108 {dimension_numbers = #tpu.dot_dimension_numbers<[1], [0], [0], [1], [0, 0, 1, 1], [], []>, transpose_lhs_hint = false} : vector<1024x32xf32>, vector<32x128xf32>, vector<1024x128xf32> -> vector<1024x128xf32>
    %add3A_110 = arith.addf %add3A_78, %dot_general3A_109 : vector<1024x128xf32>
    %get3A_111 = arith.constant 0 : index
    %get3A_112 = arith.constant 0 : index
    %get3A_113 = vector.load %arg10[%get3A_111, %get3A_112] : memref<384x32xf32, #tpu.memory_space<vmem>>, vector<384x32xf32>
    %get3A_114 = arith.constant 0 : index
    %get3A_115 = arith.constant 0 : index
    %get3A_116 = vector.load %arg11[%get3A_114, %get3A_115] : memref<32x128xf32, #tpu.memory_space<vmem>>, vector<32x128xf32>
    %max3A_117 = arith.constant 0.000000e+00 : f32
    %max3A_118 = vector.broadcast %max3A_117 : f32 to vector<1024x128xf32>
    %max3A_119 = arith.maximumf %add3A_110, %max3A_118 : vector<1024x128xf32>
    %broadcast_in_dim3A_120 = arith.constant 0.000000e+00 : f32
    %broadcast_in_dim3A_121 = vector.broadcast %broadcast_in_dim3A_120 : f32 to vector<1x128xf32>
    %slice3A_122 = vector.extract_strided_slice %max3A_119 {offsets = [0, 0], sizes = [1023, 128], strides = [1, 1]} : vector<1024x128xf32> to vector<1023x128xf32>
    %concatenate3A_123 = tpu.concatenate %broadcast_in_dim3A_121, %slice3A_122 in 0 : vector<1x128xf32>, vector<1023x128xf32> -> vector<1024x128xf32>
    %slice3A_124 = vector.extract_strided_slice %max3A_119 {offsets = [1, 0], sizes = [1023, 128], strides = [1, 1]} : vector<1024x128xf32> to vector<1023x128xf32>
    %concatenate3A_125 = tpu.concatenate %slice3A_124, %broadcast_in_dim3A_121 in 0 : vector<1023x128xf32>, vector<1x128xf32> -> vector<1024x128xf32>
    %slice3A_126 = vector.extract_strided_slice %get3A_113 {offsets = [0, 0], sizes = [128, 32], strides = [1, 1]} : vector<384x32xf32> to vector<128x32xf32>
    %dot_general3A_127 = arith.constant dense<0.000000e+00> : vector<1024x32xf32>
    %dot_general3A_128 = tpu.matmul %concatenate3A_123, %slice3A_126, %dot_general3A_127 {dimension_numbers = #tpu.dot_dimension_numbers<[1], [0], [0], [1], [0, 0, 1, 1], [], []>, transpose_lhs_hint = false} : vector<1024x128xf32>, vector<128x32xf32>, vector<1024x32xf32> -> vector<1024x32xf32>
    %slice3A_129 = vector.extract_strided_slice %get3A_113 {offsets = [128, 0], sizes = [128, 32], strides = [1, 1]} : vector<384x32xf32> to vector<128x32xf32>
    %dot_general3A_130 = arith.constant dense<0.000000e+00> : vector<1024x32xf32>
    %dot_general3A_131 = tpu.matmul %max3A_119, %slice3A_129, %dot_general3A_130 {dimension_numbers = #tpu.dot_dimension_numbers<[1], [0], [0], [1], [0, 0, 1, 1], [], []>, transpose_lhs_hint = false} : vector<1024x128xf32>, vector<128x32xf32>, vector<1024x32xf32> -> vector<1024x32xf32>
    %add3A_132 = arith.addf %dot_general3A_128, %dot_general3A_131 : vector<1024x32xf32>
    %slice3A_133 = vector.extract_strided_slice %get3A_113 {offsets = [256, 0], sizes = [128, 32], strides = [1, 1]} : vector<384x32xf32> to vector<128x32xf32>
    %dot_general3A_134 = arith.constant dense<0.000000e+00> : vector<1024x32xf32>
    %dot_general3A_135 = tpu.matmul %concatenate3A_125, %slice3A_133, %dot_general3A_134 {dimension_numbers = #tpu.dot_dimension_numbers<[1], [0], [0], [1], [0, 0, 1, 1], [], []>, transpose_lhs_hint = false} : vector<1024x128xf32>, vector<128x32xf32>, vector<1024x32xf32> -> vector<1024x32xf32>
    %add3A_136 = arith.addf %add3A_132, %dot_general3A_135 : vector<1024x32xf32>
    %max3A_137 = arith.constant 0.000000e+00 : f32
    %max3A_138 = vector.broadcast %max3A_137 : f32 to vector<1024x32xf32>
    %max3A_139 = arith.maximumf %add3A_136, %max3A_138 : vector<1024x32xf32>
    %dot_general3A_140 = arith.constant dense<0.000000e+00> : vector<1024x128xf32>
    %dot_general3A_141 = tpu.matmul %max3A_139, %get3A_116, %dot_general3A_140 {dimension_numbers = #tpu.dot_dimension_numbers<[1], [0], [0], [1], [0, 0, 1, 1], [], []>, transpose_lhs_hint = false} : vector<1024x32xf32>, vector<32x128xf32>, vector<1024x128xf32> -> vector<1024x128xf32>
    %add3A_142 = arith.addf %add3A_110, %dot_general3A_141 : vector<1024x128xf32>
    %max3A_143 = arith.constant 0.000000e+00 : f32
    %max3A_144 = vector.broadcast %max3A_143 : f32 to vector<1024x128xf32>
    %max3A_145 = arith.maximumf %add3A_142, %max3A_144 : vector<1024x128xf32>
    %get3A_146 = arith.constant 0 : index
    %get3A_147 = arith.constant 0 : index
    %get3A_148 = vector.load %arg12[%get3A_146, %get3A_147] : memref<128x128xf32, #tpu.memory_space<vmem>>, vector<128x128xf32>
    %dot_general3A_149 = arith.constant dense<0.000000e+00> : vector<1024x128xf32>
    %dot_general3A_150 = tpu.matmul %max3A_145, %get3A_148, %dot_general3A_149 {dimension_numbers = #tpu.dot_dimension_numbers<[1], [0], [0], [1], [0, 0, 1, 1], [], []>, transpose_lhs_hint = false} : vector<1024x128xf32>, vector<128x128xf32>, vector<1024x128xf32> -> vector<1024x128xf32>
    %get3A_151 = arith.constant 0 : index
    %get3A_152 = arith.constant 0 : index
    %get3A_153 = vector.load %arg13[%get3A_151, %get3A_152] : memref<1x128xf32, #tpu.memory_space<vmem>>, vector<1x128xf32>
    %add3A_154 = vector.broadcast %get3A_153 : vector<1x128xf32> to vector<1024x128xf32>
    %add3A_155 = arith.addf %dot_general3A_150, %add3A_154 : vector<1024x128xf32>
    %swap3A = arith.constant 0 : index
    %swap3A_156 = arith.constant 0 : index
    %swap3A_157 = arith.constant 0 : index
    %swap3A_158 = vector.load %arg14[%swap3A, %swap3A_156, %swap3A_157] : memref<1x1024x128xf32, #tpu.memory_space<vmem>>, vector<1x1024x128xf32>
    %swap3A_159 = vector.shape_cast %swap3A_158 : vector<1x1024x128xf32> to vector<1024x128xf32>
    %swap3A_160 = vector.shape_cast %add3A_155 : vector<1024x128xf32> to vector<1x1024x128xf32>
    tpu.vector_store %arg14[%swap3A, %swap3A_156, %swap3A_157], %swap3A_160 {strides = array<i32>} : memref<1x1024x128xf32, #tpu.memory_space<vmem>>, vector<1x1024x128xf32>,
    return
  }
  func.func @transform_0(%arg0: i32) -> (i32, i32, i32) {
    %c0_i32 = arith.constant 0 : i32
    %c0_i32_0 = arith.constant 0 : i32
    %c0_i32_1 = arith.constant 0 : i32
    return %arg0, %c0_i32, %c0_i32_0 : i32, i32, i32
  }
  func.func @transform_1(%arg0: i32) -> (i32, i32) {
    %c0_i32 = arith.constant 0 : i32
    %c0_i32_0 = arith.constant 0 : i32
    %c0_i32_1 = arith.constant 0 : i32
    return %c0_i32, %c0_i32_0 : i32, i32
  }
  func.func @transform_2(%arg0: i32) -> (i32, i32) {
    %c0_i32 = arith.constant 0 : i32
    %c0_i32_0 = arith.constant 0 : i32
    %c0_i32_1 = arith.constant 0 : i32
    return %c0_i32, %c0_i32_0 : i32, i32
  }
  func.func @transform_3(%arg0: i32) -> (i32, i32) {
    %c0_i32 = arith.constant 0 : i32
    %c0_i32_0 = arith.constant 0 : i32
    %c0_i32_1 = arith.constant 0 : i32
    return %c0_i32, %c0_i32_0 : i32, i32
  }
  func.func @transform_4(%arg0: i32) -> (i32, i32) {
    %c0_i32 = arith.constant 0 : i32
    %c0_i32_0 = arith.constant 0 : i32
    %c0_i32_1 = arith.constant 0 : i32
    return %c0_i32, %c0_i32_0 : i32, i32
  }
  func.func @transform_5(%arg0: i32) -> (i32, i32) {
    %c0_i32 = arith.constant 0 : i32
    %c0_i32_0 = arith.constant 0 : i32
    %c0_i32_1 = arith.constant 0 : i32
    return %c0_i32, %c0_i32_0 : i32, i32
  }
  func.func @transform_6(%arg0: i32) -> (i32, i32) {
    %c0_i32 = arith.constant 0 : i32
    %c0_i32_0 = arith.constant 0 : i32
    %c0_i32_1 = arith.constant 0 : i32
    return %c0_i32, %c0_i32_0 : i32, i32
  }
  func.func @transform_7(%arg0: i32) -> (i32, i32) {
    %c0_i32 = arith.constant 0 : i32
    %c0_i32_0 = arith.constant 0 : i32
    %c0_i32_1 = arith.constant 0 : i32
    return %c0_i32, %c0_i32_0 : i32, i32
  }
  func.func @transform_8(%arg0: i32) -> (i32, i32) {
    %c0_i32 = arith.constant 0 : i32
    %c0_i32_0 = arith.constant 0 : i32
    %c0_i32_1 = arith.constant 0 : i32
    return %c0_i32, %c0_i32_0 : i32, i32
  }
  func.func @transform_9(%arg0: i32) -> (i32, i32) {
    %c0_i32 = arith.constant 0 : i32
    %c0_i32_0 = arith.constant 0 : i32
    %c0_i32_1 = arith.constant 0 : i32
    return %c0_i32, %c0_i32_0 : i32, i32
  }
  func.func @transform_10(%arg0: i32) -> (i32, i32) {
    %c0_i32 = arith.constant 0 : i32
    %c0_i32_0 = arith.constant 0 : i32
    %c0_i32_1 = arith.constant 0 : i32
    return %c0_i32, %c0_i32_0 : i32, i32
  }
  func.func @transform_11(%arg0: i32) -> (i32, i32) {
    %c0_i32 = arith.constant 0 : i32
    %c0_i32_0 = arith.constant 0 : i32
    %c0_i32_1 = arith.constant 0 : i32
    return %c0_i32, %c0_i32_0 : i32, i32
  }
  func.func @transform_12(%arg0: i32) -> (i32, i32) {
    %c0_i32 = arith.constant 0 : i32
    %c0_i32_0 = arith.constant 0 : i32
    %c0_i32_1 = arith.constant 0 : i32
    return %c0_i32, %c0_i32_0 : i32, i32
  }
  func.func @transform_13(%arg0: i32) -> (i32, i32, i32) {
    %c0_i32 = arith.constant 0 : i32
    %c0_i32_0 = arith.constant 0 : i32
    %c0_i32_1 = arith.constant 0 : i32
    return %arg0, %c0_i32, %c0_i32_0 : i32, i32, i32
  }
}

module attributes {stable_mosaic.version = 14 : i64} {
  func.func @_dist_body(%arg0: i32, %arg1: i32, %arg2: memref<1024x128xf32, #tpu.memory_space<vmem>>, %arg3: memref<2048x128xf32, #tpu.memory_space<vmem>>, %arg4: memref<1x1024x1xi32, #tpu.memory_space<vmem>>, %arg5: memref<1024x1xf32, #tpu.memory_space<vmem>>, %arg6: memref<1024x1xi32, #tpu.memory_space<vmem>>) attributes {dimension_semantics = [#tpu.dimension_semantics<arbitrary>, #tpu.dimension_semantics<arbitrary>], iteration_bounds = array<i64: 8, 4>, scalar_prefetch = 0 : i64, scratch_operands = 2 : i64, tpu.core_type = #tpu.core_type<tc>, window_params = [{transform_indices = @transform_0, window_bounds = array<i64: 1024, 128>}, {transform_indices = @transform_1, window_bounds = array<i64: 2048, 128>}, {transform_indices = @transform_2, window_bounds = array<i64: 1, 1024, 1>}]} {
    %get3A = arith.constant 0 : index
    %get3A_0 = arith.constant 0 : index
    %get3A_1 = vector.load %arg3[%get3A, %get3A_0] : memref<2048x128xf32, #tpu.memory_space<vmem>>, vector<2048x128xf32>
    %get3A_2 = arith.constant 0 : index
    %get3A_3 = arith.constant 0 : index
    %get3A_4 = vector.load %arg2[%get3A_2, %get3A_3] : memref<1024x128xf32, #tpu.memory_space<vmem>>, vector<1024x128xf32>
    %dot_general3A = arith.constant dense<0.000000e+00> : vector<1024x2048xf32>
    %dot_general3A_5 = tpu.matmul %get3A_4, %get3A_1, %dot_general3A {dimension_numbers = #tpu.dot_dimension_numbers<[1], [1], [0], [0], [0, 0, 1, 0], [], []>, transpose_lhs_hint = false} : vector<1024x128xf32>, vector<2048x128xf32>, vector<1024x2048xf32> -> vector<1024x2048xf32>
    %mul3A = arith.mulf %get3A_4, %get3A_4 : vector<1024x128xf32>
    %reduce_sum3A = arith.constant dense<0.000000e+00> : vector<1024xf32>
    %reduce_sum3A_6 = vector.multi_reduction <add>, %mul3A, %reduce_sum3A [1] : vector<1024x128xf32> to vector<1024xf32>
    %broadcast_in_dim3A = vector.shape_cast %reduce_sum3A_6 : vector<1024xf32> to vector<1024x1xf32>
    %broadcast_in_dim3A_7 = arith.constant 1.000000e+00 : f32
    %broadcast_in_dim3A_8 = vector.broadcast %broadcast_in_dim3A_7 : f32 to vector<1x128xf32>
    %mul3A_9 = arith.mulf %get3A_1, %get3A_1 : vector<2048x128xf32>
    %dot_general3A_10 = arith.constant dense<0.000000e+00> : vector<1x2048xf32>
    %dot_general3A_11 = tpu.matmul %broadcast_in_dim3A_8, %mul3A_9, %dot_general3A_10 {dimension_numbers = #tpu.dot_dimension_numbers<[1], [1], [0], [0], [0, 0, 1, 0], [], []>, precision = #tpu.contract_precision<fp32>, transpose_lhs_hint = false} : vector<1x128xf32>, vector<2048x128xf32>, vector<1x2048xf32> -> vector<1x2048xf32>
    %add3A = vector.broadcast %broadcast_in_dim3A : vector<1024x1xf32> to vector<1024x2048xf32>
    %add3A_12 = vector.broadcast %dot_general3A_11 : vector<1x2048xf32> to vector<1024x2048xf32>
    %add3A_13 = arith.addf %add3A, %add3A_12 : vector<1024x2048xf32>
    %mul3A_14 = arith.constant 2.000000e+00 : f32
    %mul3A_15 = vector.broadcast %mul3A_14 : f32 to vector<1024x2048xf32>
    %mul3A_16 = arith.mulf %mul3A_15, %dot_general3A_5 : vector<1024x2048xf32>
    %sub3A = arith.subf %add3A_13, %mul3A_16 : vector<1024x2048xf32>
    %reduce_min3A = arith.constant dense<0x7F800000> : vector<1024xf32>
    %reduce_min3A_17 = vector.multi_reduction <minimumf>, %sub3A, %reduce_min3A [1] : vector<1024x2048xf32> to vector<1024xf32>
    %broadcast_in_dim3A_18 = vector.shape_cast %reduce_min3A_17 : vector<1024xf32> to vector<1024x1xf32>
    %iota3A = tpu.iota {dimensions = array<i32: 1>} : vector<1024x2048xi32>
    %mul3A_19 = arith.constant 2048 : i32
    %mul3A_20 = arith.muli %arg1, %mul3A_19 : i32
    %add3A_21 = vector.broadcast %mul3A_20 : i32 to vector<1024x2048xi32>
    %add3A_22 = arith.addi %iota3A, %add3A_21 : vector<1024x2048xi32>
    %eq3A = vector.broadcast %broadcast_in_dim3A_18 : vector<1024x1xf32> to vector<1024x2048xf32>
    %eq3A_23 = arith.cmpf oeq, %sub3A, %eq3A : vector<1024x2048xf32>
    %jit3A = arith.constant 1073741824 : i32
    %broadcast_in_dim3A_24 = vector.broadcast %jit3A : i32 to vector<1024x2048xi32>
    %select_n3A = arith.select %eq3A_23, %add3A_22, %broadcast_in_dim3A_24 : vector<1024x2048xi1>, vector<1024x2048xi32>
    %reduce_min3A_25 = arith.constant dense<2147483647> : vector<1024xi32>
    %reduce_min3A_26 = vector.multi_reduction <minsi>, %select_n3A, %reduce_min3A_25 [1] : vector<1024x2048xi32> to vector<1024xi32>
    %broadcast_in_dim3A_27 = vector.shape_cast %reduce_min3A_26 : vector<1024xi32> to vector<1024x1xi32>
    %eq3A_28 = arith.constant 0 : i32
    %eq3A_29 = arith.cmpi eq, %arg1, %eq3A_28 : i32
    %convert_element_type3A = arith.extui %eq3A_29 : i1 to i32
    %cond3A = arith.constant 0 : i32
    %cond3A_30 = arith.cmpi ne, %convert_element_type3A, %cond3A : i32
    scf.if %cond3A_30 {
      %swap3A_41 = arith.constant 0 : index
      %swap3A_42 = arith.constant 0 : index
      %swap3A_43 = vector.load %arg5[%swap3A_41, %swap3A_42] : memref<1024x1xf32, #tpu.memory_space<vmem>>, vector<1024x1xf32>
      tpu.vector_store %arg5[%swap3A_41, %swap3A_42], %broadcast_in_dim3A_18 {strides = array<i32>} : memref<1024x1xf32, #tpu.memory_space<vmem>>, vector<1024x1xf32>,
      %swap3A_44 = arith.constant 0 : index
      %swap3A_45 = arith.constant 0 : index
      %swap3A_46 = vector.load %arg6[%swap3A_44, %swap3A_45] : memref<1024x1xi32, #tpu.memory_space<vmem>>, vector<1024x1xi32>
      tpu.vector_store %arg6[%swap3A_44, %swap3A_45], %broadcast_in_dim3A_27 {strides = array<i32>} : memref<1024x1xi32, #tpu.memory_space<vmem>>, vector<1024x1xi32>,
    } else {
    }
    %gt3A = arith.constant 0 : i32
    %gt3A_31 = arith.cmpi sgt, %arg1, %gt3A : i32
    %convert_element_type3A_32 = arith.extui %gt3A_31 : i1 to i32
    %cond3A_33 = arith.constant 0 : i32
    %cond3A_34 = arith.cmpi ne, %convert_element_type3A_32, %cond3A_33 : i32
    scf.if %cond3A_34 {
      %get3A_41 = arith.constant 0 : index
      %get3A_42 = arith.constant 0 : index
      %get3A_43 = vector.load %arg5[%get3A_41, %get3A_42] : memref<1024x1xf32, #tpu.memory_space<vmem>>, vector<1024x1xf32>
      %get3A_44 = arith.constant 0 : index
      %get3A_45 = arith.constant 0 : index
      %get3A_46 = vector.load %arg6[%get3A_44, %get3A_45] : memref<1024x1xi32, #tpu.memory_space<vmem>>, vector<1024x1xi32>
      %lt3A = arith.cmpf olt, %broadcast_in_dim3A_18, %get3A_43 : vector<1024x1xf32>
      %select_n3A_47 = arith.select %lt3A, %broadcast_in_dim3A_18, %get3A_43 : vector<1024x1xi1>, vector<1024x1xf32>
      %swap3A_48 = arith.constant 0 : index
      %swap3A_49 = arith.constant 0 : index
      %swap3A_50 = vector.load %arg5[%swap3A_48, %swap3A_49] : memref<1024x1xf32, #tpu.memory_space<vmem>>, vector<1024x1xf32>
      tpu.vector_store %arg5[%swap3A_48, %swap3A_49], %select_n3A_47 {strides = array<i32>} : memref<1024x1xf32, #tpu.memory_space<vmem>>, vector<1024x1xf32>,
      %select_n3A_51 = arith.select %lt3A, %broadcast_in_dim3A_27, %get3A_46 : vector<1024x1xi1>, vector<1024x1xi32>
      %swap3A_52 = arith.constant 0 : index
      %swap3A_53 = arith.constant 0 : index
      %swap3A_54 = vector.load %arg6[%swap3A_52, %swap3A_53] : memref<1024x1xi32, #tpu.memory_space<vmem>>, vector<1024x1xi32>
      tpu.vector_store %arg6[%swap3A_52, %swap3A_53], %select_n3A_51 {strides = array<i32>} : memref<1024x1xi32, #tpu.memory_space<vmem>>, vector<1024x1xi32>,
    } else {
    }
    %get3A_35 = arith.constant 0 : index
    %get3A_36 = arith.constant 0 : index
    %get3A_37 = vector.load %arg6[%get3A_35, %get3A_36] : memref<1024x1xi32, #tpu.memory_space<vmem>>, vector<1024x1xi32>
    %reshape3A = vector.shape_cast %get3A_37 : vector<1024x1xi32> to vector<1x1024x1xi32>
    %swap3A = arith.constant 0 : index
    %swap3A_38 = arith.constant 0 : index
    %swap3A_39 = arith.constant 0 : index
    %swap3A_40 = vector.load %arg4[%swap3A, %swap3A_38, %swap3A_39] : memref<1x1024x1xi32, #tpu.memory_space<vmem>>, vector<1x1024x1xi32>
    tpu.vector_store %arg4[%swap3A, %swap3A_38, %swap3A_39], %reshape3A {strides = array<i32>} : memref<1x1024x1xi32, #tpu.memory_space<vmem>>, vector<1x1024x1xi32>,
    return
  }
  func.func @transform_0(%arg0: i32, %arg1: i32) -> (i32, i32) {
    %c0_i32 = arith.constant 0 : i32
    %c0_i32_0 = arith.constant 0 : i32
    return %arg0, %c0_i32 : i32, i32
  }
  func.func @transform_1(%arg0: i32, %arg1: i32) -> (i32, i32) {
    %c0_i32 = arith.constant 0 : i32
    %c0_i32_0 = arith.constant 0 : i32
    return %arg1, %c0_i32 : i32, i32
  }
  func.func @transform_2(%arg0: i32, %arg1: i32) -> (i32, i32, i32) {
    %c0_i32 = arith.constant 0 : i32
    %c0_i32_0 = arith.constant 0 : i32
    %c0_i32_1 = arith.constant 0 : i32
    return %arg0, %c0_i32, %c0_i32_0 : i32, i32, i32
  }
}

module attributes {stable_mosaic.version = 14 : i64} {
  func.func @_cnt_body(%arg0: i32, %arg1: memref<1x8192xi32, #tpu.memory_space<vmem>>, %arg2: memref<2048x1xf32, #tpu.memory_space<vmem>>) attributes {dimension_semantics = [#tpu.dimension_semantics<arbitrary>], iteration_bounds = array<i64: 4>, scalar_prefetch = 0 : i64, scratch_operands = 0 : i64, tpu.core_type = #tpu.core_type<tc>, window_params = [{pipeline_mode = #tpu.pipeline_mode<synchronous>, transform_indices = @transform_0, window_bounds = array<i64: 1, 8192>}, {transform_indices = @transform_1, window_bounds = array<i64: 2048, 1>}]} {
    %iota3A = tpu.iota {dimensions = array<i32: 0>} : vector<2048x1xi32>
    %mul3A = arith.constant 2048 : i32
    %mul3A_0 = arith.muli %arg0, %mul3A : i32
    %add3A = vector.broadcast %mul3A_0 : i32 to vector<2048x1xi32>
    %add3A_1 = arith.addi %iota3A, %add3A : vector<2048x1xi32>
    %broadcast_in_dim3A = arith.constant 0.000000e+00 : f32
    %broadcast_in_dim3A_2 = vector.broadcast %broadcast_in_dim3A : f32 to vector<2048x1xf32>
    %get3A = arith.constant 0 : index
    %get3A_3 = arith.constant 0 : index
    %get3A_4 = vector.load %arg1[%get3A, %get3A_3] : memref<1x8192xi32, #tpu.memory_space<vmem>>, vector<1x8192xi32>
    %slice3A = vector.extract_strided_slice %get3A_4 {offsets = [0, 0], sizes = [1, 1024], strides = [1, 1]} : vector<1x8192xi32> to vector<1x1024xi32>
    %eq3A = vector.broadcast %add3A_1 : vector<2048x1xi32> to vector<2048x1024xi32>
    %eq3A_5 = vector.broadcast %slice3A : vector<1x1024xi32> to vector<2048x1024xi32>
    %eq3A_6 = arith.cmpi eq, %eq3A, %eq3A_5 : vector<2048x1024xi32>
    %convert_element_type3A = arith.extui %eq3A_6 : vector<2048x1024xi1> to vector<2048x1024xi32>
    %convert_element_type3A_7 = arith.sitofp %convert_element_type3A : vector<2048x1024xi32> to vector<2048x1024xf32>
    %reduce_sum3A = arith.constant dense<0.000000e+00> : vector<2048xf32>
    %reduce_sum3A_8 = vector.multi_reduction <add>, %convert_element_type3A_7, %reduce_sum3A [1] : vector<2048x1024xf32> to vector<2048xf32>
    %broadcast_in_dim3A_9 = vector.shape_cast %reduce_sum3A_8 : vector<2048xf32> to vector<2048x1xf32>
    %add3A_10 = arith.addf %broadcast_in_dim3A_2, %broadcast_in_dim3A_9 : vector<2048x1xf32>
    %slice3A_11 = vector.extract_strided_slice %get3A_4 {offsets = [0, 1024], sizes = [1, 1024], strides = [1, 1]} : vector<1x8192xi32> to vector<1x1024xi32>
    %eq3A_12 = vector.broadcast %add3A_1 : vector<2048x1xi32> to vector<2048x1024xi32>
    %eq3A_13 = vector.broadcast %slice3A_11 : vector<1x1024xi32> to vector<2048x1024xi32>
    %eq3A_14 = arith.cmpi eq, %eq3A_12, %eq3A_13 : vector<2048x1024xi32>
    %convert_element_type3A_15 = arith.extui %eq3A_14 : vector<2048x1024xi1> to vector<2048x1024xi32>
    %convert_element_type3A_16 = arith.sitofp %convert_element_type3A_15 : vector<2048x1024xi32> to vector<2048x1024xf32>
    %reduce_sum3A_17 = arith.constant dense<0.000000e+00> : vector<2048xf32>
    %reduce_sum3A_18 = vector.multi_reduction <add>, %convert_element_type3A_16, %reduce_sum3A_17 [1] : vector<2048x1024xf32> to vector<2048xf32>
    %broadcast_in_dim3A_19 = vector.shape_cast %reduce_sum3A_18 : vector<2048xf32> to vector<2048x1xf32>
    %add3A_20 = arith.addf %add3A_10, %broadcast_in_dim3A_19 : vector<2048x1xf32>
    %slice3A_21 = vector.extract_strided_slice %get3A_4 {offsets = [0, 2048], sizes = [1, 1024], strides = [1, 1]} : vector<1x8192xi32> to vector<1x1024xi32>
    %eq3A_22 = vector.broadcast %add3A_1 : vector<2048x1xi32> to vector<2048x1024xi32>
    %eq3A_23 = vector.broadcast %slice3A_21 : vector<1x1024xi32> to vector<2048x1024xi32>
    %eq3A_24 = arith.cmpi eq, %eq3A_22, %eq3A_23 : vector<2048x1024xi32>
    %convert_element_type3A_25 = arith.extui %eq3A_24 : vector<2048x1024xi1> to vector<2048x1024xi32>
    %convert_element_type3A_26 = arith.sitofp %convert_element_type3A_25 : vector<2048x1024xi32> to vector<2048x1024xf32>
    %reduce_sum3A_27 = arith.constant dense<0.000000e+00> : vector<2048xf32>
    %reduce_sum3A_28 = vector.multi_reduction <add>, %convert_element_type3A_26, %reduce_sum3A_27 [1] : vector<2048x1024xf32> to vector<2048xf32>
    %broadcast_in_dim3A_29 = vector.shape_cast %reduce_sum3A_28 : vector<2048xf32> to vector<2048x1xf32>
    %add3A_30 = arith.addf %add3A_20, %broadcast_in_dim3A_29 : vector<2048x1xf32>
    %slice3A_31 = vector.extract_strided_slice %get3A_4 {offsets = [0, 3072], sizes = [1, 1024], strides = [1, 1]} : vector<1x8192xi32> to vector<1x1024xi32>
    %eq3A_32 = vector.broadcast %add3A_1 : vector<2048x1xi32> to vector<2048x1024xi32>
    %eq3A_33 = vector.broadcast %slice3A_31 : vector<1x1024xi32> to vector<2048x1024xi32>
    %eq3A_34 = arith.cmpi eq, %eq3A_32, %eq3A_33 : vector<2048x1024xi32>
    %convert_element_type3A_35 = arith.extui %eq3A_34 : vector<2048x1024xi1> to vector<2048x1024xi32>
    %convert_element_type3A_36 = arith.sitofp %convert_element_type3A_35 : vector<2048x1024xi32> to vector<2048x1024xf32>
    %reduce_sum3A_37 = arith.constant dense<0.000000e+00> : vector<2048xf32>
    %reduce_sum3A_38 = vector.multi_reduction <add>, %convert_element_type3A_36, %reduce_sum3A_37 [1] : vector<2048x1024xf32> to vector<2048xf32>
    %broadcast_in_dim3A_39 = vector.shape_cast %reduce_sum3A_38 : vector<2048xf32> to vector<2048x1xf32>
    %add3A_40 = arith.addf %add3A_30, %broadcast_in_dim3A_39 : vector<2048x1xf32>
    %slice3A_41 = vector.extract_strided_slice %get3A_4 {offsets = [0, 4096], sizes = [1, 1024], strides = [1, 1]} : vector<1x8192xi32> to vector<1x1024xi32>
    %eq3A_42 = vector.broadcast %add3A_1 : vector<2048x1xi32> to vector<2048x1024xi32>
    %eq3A_43 = vector.broadcast %slice3A_41 : vector<1x1024xi32> to vector<2048x1024xi32>
    %eq3A_44 = arith.cmpi eq, %eq3A_42, %eq3A_43 : vector<2048x1024xi32>
    %convert_element_type3A_45 = arith.extui %eq3A_44 : vector<2048x1024xi1> to vector<2048x1024xi32>
    %convert_element_type3A_46 = arith.sitofp %convert_element_type3A_45 : vector<2048x1024xi32> to vector<2048x1024xf32>
    %reduce_sum3A_47 = arith.constant dense<0.000000e+00> : vector<2048xf32>
    %reduce_sum3A_48 = vector.multi_reduction <add>, %convert_element_type3A_46, %reduce_sum3A_47 [1] : vector<2048x1024xf32> to vector<2048xf32>
    %broadcast_in_dim3A_49 = vector.shape_cast %reduce_sum3A_48 : vector<2048xf32> to vector<2048x1xf32>
    %add3A_50 = arith.addf %add3A_40, %broadcast_in_dim3A_49 : vector<2048x1xf32>
    %slice3A_51 = vector.extract_strided_slice %get3A_4 {offsets = [0, 5120], sizes = [1, 1024], strides = [1, 1]} : vector<1x8192xi32> to vector<1x1024xi32>
    %eq3A_52 = vector.broadcast %add3A_1 : vector<2048x1xi32> to vector<2048x1024xi32>
    %eq3A_53 = vector.broadcast %slice3A_51 : vector<1x1024xi32> to vector<2048x1024xi32>
    %eq3A_54 = arith.cmpi eq, %eq3A_52, %eq3A_53 : vector<2048x1024xi32>
    %convert_element_type3A_55 = arith.extui %eq3A_54 : vector<2048x1024xi1> to vector<2048x1024xi32>
    %convert_element_type3A_56 = arith.sitofp %convert_element_type3A_55 : vector<2048x1024xi32> to vector<2048x1024xf32>
    %reduce_sum3A_57 = arith.constant dense<0.000000e+00> : vector<2048xf32>
    %reduce_sum3A_58 = vector.multi_reduction <add>, %convert_element_type3A_56, %reduce_sum3A_57 [1] : vector<2048x1024xf32> to vector<2048xf32>
    %broadcast_in_dim3A_59 = vector.shape_cast %reduce_sum3A_58 : vector<2048xf32> to vector<2048x1xf32>
    %add3A_60 = arith.addf %add3A_50, %broadcast_in_dim3A_59 : vector<2048x1xf32>
    %slice3A_61 = vector.extract_strided_slice %get3A_4 {offsets = [0, 6144], sizes = [1, 1024], strides = [1, 1]} : vector<1x8192xi32> to vector<1x1024xi32>
    %eq3A_62 = vector.broadcast %add3A_1 : vector<2048x1xi32> to vector<2048x1024xi32>
    %eq3A_63 = vector.broadcast %slice3A_61 : vector<1x1024xi32> to vector<2048x1024xi32>
    %eq3A_64 = arith.cmpi eq, %eq3A_62, %eq3A_63 : vector<2048x1024xi32>
    %convert_element_type3A_65 = arith.extui %eq3A_64 : vector<2048x1024xi1> to vector<2048x1024xi32>
    %convert_element_type3A_66 = arith.sitofp %convert_element_type3A_65 : vector<2048x1024xi32> to vector<2048x1024xf32>
    %reduce_sum3A_67 = arith.constant dense<0.000000e+00> : vector<2048xf32>
    %reduce_sum3A_68 = vector.multi_reduction <add>, %convert_element_type3A_66, %reduce_sum3A_67 [1] : vector<2048x1024xf32> to vector<2048xf32>
    %broadcast_in_dim3A_69 = vector.shape_cast %reduce_sum3A_68 : vector<2048xf32> to vector<2048x1xf32>
    %add3A_70 = arith.addf %add3A_60, %broadcast_in_dim3A_69 : vector<2048x1xf32>
    %slice3A_71 = vector.extract_strided_slice %get3A_4 {offsets = [0, 7168], sizes = [1, 1024], strides = [1, 1]} : vector<1x8192xi32> to vector<1x1024xi32>
    %eq3A_72 = vector.broadcast %add3A_1 : vector<2048x1xi32> to vector<2048x1024xi32>
    %eq3A_73 = vector.broadcast %slice3A_71 : vector<1x1024xi32> to vector<2048x1024xi32>
    %eq3A_74 = arith.cmpi eq, %eq3A_72, %eq3A_73 : vector<2048x1024xi32>
    %convert_element_type3A_75 = arith.extui %eq3A_74 : vector<2048x1024xi1> to vector<2048x1024xi32>
    %convert_element_type3A_76 = arith.sitofp %convert_element_type3A_75 : vector<2048x1024xi32> to vector<2048x1024xf32>
    %reduce_sum3A_77 = arith.constant dense<0.000000e+00> : vector<2048xf32>
    %reduce_sum3A_78 = vector.multi_reduction <add>, %convert_element_type3A_76, %reduce_sum3A_77 [1] : vector<2048x1024xf32> to vector<2048xf32>
    %broadcast_in_dim3A_79 = vector.shape_cast %reduce_sum3A_78 : vector<2048xf32> to vector<2048x1xf32>
    %add3A_80 = arith.addf %add3A_70, %broadcast_in_dim3A_79 : vector<2048x1xf32>
    %swap3A = arith.constant 0 : index
    %swap3A_81 = arith.constant 0 : index
    %swap3A_82 = vector.load %arg2[%swap3A, %swap3A_81] : memref<2048x1xf32, #tpu.memory_space<vmem>>, vector<2048x1xf32>
    tpu.vector_store %arg2[%swap3A, %swap3A_81], %add3A_80 {strides = array<i32>} : memref<2048x1xf32, #tpu.memory_space<vmem>>, vector<2048x1xf32>,
    return
  }
  func.func @transform_0(%arg0: i32) -> (i32, i32) {
    %c0_i32 = arith.constant 0 : i32
    %c0_i32_0 = arith.constant 0 : i32
    %c0_i32_1 = arith.constant 0 : i32
    return %c0_i32, %c0_i32_0 : i32, i32
  }
  func.func @transform_1(%arg0: i32) -> (i32, i32) {
    %c0_i32 = arith.constant 0 : i32
    %c0_i32_0 = arith.constant 0 : i32
    return %arg0, %c0_i32 : i32, i32
  }
}

module attributes {stable_mosaic.version = 14 : i64} {
  func.func @_dec_body(%arg0: i32, %arg1: memref<1x1024x128xf32, #tpu.memory_space<vmem>>, %arg2: memref<1x1024x128xf32, #tpu.memory_space<vmem>>, %arg3: memref<8192x1xf32, #tpu.memory_space<vmem>>, %arg4: memref<384x128xf32, #tpu.memory_space<vmem>>, %arg5: memref<1x128xf32, #tpu.memory_space<vmem>>, %arg6: memref<384x32xf32, #tpu.memory_space<vmem>>, %arg7: memref<32x128xf32, #tpu.memory_space<vmem>>, %arg8: memref<384x32xf32, #tpu.memory_space<vmem>>, %arg9: memref<32x128xf32, #tpu.memory_space<vmem>>, %arg10: memref<384x64xf32, #tpu.memory_space<vmem>>, %arg11: memref<1x64xf32, #tpu.memory_space<vmem>>, %arg12: memref<192x8xf32, #tpu.memory_space<vmem>>, %arg13: memref<1x8xf32, #tpu.memory_space<vmem>>, %arg14: memref<1x1024x8xf32, #tpu.memory_space<vmem>>, %arg15: memref<1x1xf32, #tpu.memory_space<vmem>>, %arg16: memref<1x1xf32, #tpu.memory_space<vmem>>, %arg17: memref<1x1xf32, #tpu.memory_space<smem>>) attributes {dimension_semantics = [#tpu.dimension_semantics<arbitrary>], iteration_bounds = array<i64: 8>, scalar_prefetch = 0 : i64, scratch_operands = 1 : i64, tpu.core_type = #tpu.core_type<tc>, window_params = [{transform_indices = @transform_0, window_bounds = array<i64: 1, 1024, 128>}, {transform_indices = @transform_1, window_bounds = array<i64: 1, 1024, 128>}, {pipeline_mode = #tpu.pipeline_mode<synchronous>, transform_indices = @transform_2, window_bounds = array<i64: 8192, 1>}, {pipeline_mode = #tpu.pipeline_mode<synchronous>, transform_indices = @transform_3, window_bounds = array<i64: 384, 128>}, {pipeline_mode = #tpu.pipeline_mode<synchronous>, transform_indices = @transform_4, window_bounds = array<i64: 1, 128>}, {pipeline_mode = #tpu.pipeline_mode<synchronous>, transform_indices = @transform_5, window_bounds = array<i64: 384, 32>}, {pipeline_mode = #tpu.pipeline_mode<synchronous>, transform_indices = @transform_6, window_bounds = array<i64: 32, 128>}, {pipeline_mode = #tpu.pipeline_mode<synchronous>, transform_indices = @transform_7, window_bounds = array<i64: 384, 32>}, {pipeline_mode = #tpu.pipeline_mode<synchronous>, transform_indices = @transform_8, window_bounds = array<i64: 32, 128>}, {pipeline_mode = #tpu.pipeline_mode<synchronous>, transform_indices = @transform_9, window_bounds = array<i64: 384, 64>}, {pipeline_mode = #tpu.pipeline_mode<synchronous>, transform_indices = @transform_10, window_bounds = array<i64: 1, 64>}, {pipeline_mode = #tpu.pipeline_mode<synchronous>, transform_indices = @transform_11, window_bounds = array<i64: 192, 8>}, {pipeline_mode = #tpu.pipeline_mode<synchronous>, transform_indices = @transform_12, window_bounds = array<i64: 1, 8>}, {transform_indices = @transform_13, window_bounds = array<i64: 1, 1024, 8>}, {pipeline_mode = #tpu.pipeline_mode<synchronous>, transform_indices = @transform_14, window_bounds = array<i64: 1, 1>}, {pipeline_mode = #tpu.pipeline_mode<synchronous>, transform_indices = @transform_15, window_bounds = array<i64: 1, 1>}]} {
    %get3A = arith.constant 0 : index
    %get3A_0 = arith.constant 0 : index
    %get3A_1 = arith.constant 0 : index
    %get3A_2 = vector.load %arg1[%get3A, %get3A_0, %get3A_1] : memref<1x1024x128xf32, #tpu.memory_space<vmem>>, vector<1x1024x128xf32>
    %get3A_3 = vector.shape_cast %get3A_2 : vector<1x1024x128xf32> to vector<1024x128xf32>
    %get3A_4 = arith.constant 0 : index
    %get3A_5 = arith.constant 0 : index
    %get3A_6 = arith.constant 0 : index
    %get3A_7 = vector.load %arg2[%get3A_4, %get3A_5, %get3A_6] : memref<1x1024x128xf32, #tpu.memory_space<vmem>>, vector<1x1024x128xf32>
    %get3A_8 = vector.shape_cast %get3A_7 : vector<1x1024x128xf32> to vector<1024x128xf32>
    %get3A_9 = arith.constant 0 : index
    %get3A_10 = arith.constant 0 : index
    %get3A_11 = vector.load %arg4[%get3A_9, %get3A_10] : memref<384x128xf32, #tpu.memory_space<vmem>>, vector<384x128xf32>
    %get3A_12 = arith.constant 0 : index
    %get3A_13 = arith.constant 0 : index
    %get3A_14 = vector.load %arg5[%get3A_12, %get3A_13] : memref<1x128xf32, #tpu.memory_space<vmem>>, vector<1x128xf32>
    %broadcast_in_dim3A = arith.constant 0.000000e+00 : f32
    %broadcast_in_dim3A_15 = vector.broadcast %broadcast_in_dim3A : f32 to vector<1x128xf32>
    %slice3A = vector.extract_strided_slice %get3A_3 {offsets = [0, 0], sizes = [1023, 128], strides = [1, 1]} : vector<1024x128xf32> to vector<1023x128xf32>
    %concatenate3A = tpu.concatenate %broadcast_in_dim3A_15, %slice3A in 0 : vector<1x128xf32>, vector<1023x128xf32> -> vector<1024x128xf32>
    %slice3A_16 = vector.extract_strided_slice %get3A_3 {offsets = [1, 0], sizes = [1023, 128], strides = [1, 1]} : vector<1024x128xf32> to vector<1023x128xf32>
    %concatenate3A_17 = tpu.concatenate %slice3A_16, %broadcast_in_dim3A_15 in 0 : vector<1023x128xf32>, vector<1x128xf32> -> vector<1024x128xf32>
    %slice3A_18 = vector.extract_strided_slice %get3A_11 {offsets = [0, 0], sizes = [128, 128], strides = [1, 1]} : vector<384x128xf32> to vector<128x128xf32>
    %dot_general3A = arith.constant dense<0.000000e+00> : vector<1024x128xf32>
    %dot_general3A_19 = tpu.matmul %concatenate3A, %slice3A_18, %dot_general3A {dimension_numbers = #tpu.dot_dimension_numbers<[1], [0], [0], [1], [0, 0, 1, 1], [], []>, transpose_lhs_hint = false} : vector<1024x128xf32>, vector<128x128xf32>, vector<1024x128xf32> -> vector<1024x128xf32>
    %slice3A_20 = vector.extract_strided_slice %get3A_11 {offsets = [128, 0], sizes = [128, 128], strides = [1, 1]} : vector<384x128xf32> to vector<128x128xf32>
    %dot_general3A_21 = arith.constant dense<0.000000e+00> : vector<1024x128xf32>
    %dot_general3A_22 = tpu.matmul %get3A_3, %slice3A_20, %dot_general3A_21 {dimension_numbers = #tpu.dot_dimension_numbers<[1], [0], [0], [1], [0, 0, 1, 1], [], []>, transpose_lhs_hint = false} : vector<1024x128xf32>, vector<128x128xf32>, vector<1024x128xf32> -> vector<1024x128xf32>
    %add3A = arith.addf %dot_general3A_19, %dot_general3A_22 : vector<1024x128xf32>
    %slice3A_23 = vector.extract_strided_slice %get3A_11 {offsets = [256, 0], sizes = [128, 128], strides = [1, 1]} : vector<384x128xf32> to vector<128x128xf32>
    %dot_general3A_24 = arith.constant dense<0.000000e+00> : vector<1024x128xf32>
    %dot_general3A_25 = tpu.matmul %concatenate3A_17, %slice3A_23, %dot_general3A_24 {dimension_numbers = #tpu.dot_dimension_numbers<[1], [0], [0], [1], [0, 0, 1, 1], [], []>, transpose_lhs_hint = false} : vector<1024x128xf32>, vector<128x128xf32>, vector<1024x128xf32> -> vector<1024x128xf32>
    %add3A_26 = arith.addf %add3A, %dot_general3A_25 : vector<1024x128xf32>
    %add3A_27 = vector.broadcast %get3A_14 : vector<1x128xf32> to vector<1024x128xf32>
    %add3A_28 = arith.addf %add3A_26, %add3A_27 : vector<1024x128xf32>
    %get3A_29 = arith.constant 0 : index
    %get3A_30 = arith.constant 0 : index
    %get3A_31 = vector.load %arg6[%get3A_29, %get3A_30] : memref<384x32xf32, #tpu.memory_space<vmem>>, vector<384x32xf32>
    %get3A_32 = arith.constant 0 : index
    %get3A_33 = arith.constant 0 : index
    %get3A_34 = vector.load %arg7[%get3A_32, %get3A_33] : memref<32x128xf32, #tpu.memory_space<vmem>>, vector<32x128xf32>
    %max3A = arith.constant 0.000000e+00 : f32
    %max3A_35 = vector.broadcast %max3A : f32 to vector<1024x128xf32>
    %max3A_36 = arith.maximumf %add3A_28, %max3A_35 : vector<1024x128xf32>
    %broadcast_in_dim3A_37 = arith.constant 0.000000e+00 : f32
    %broadcast_in_dim3A_38 = vector.broadcast %broadcast_in_dim3A_37 : f32 to vector<1x128xf32>
    %slice3A_39 = vector.extract_strided_slice %max3A_36 {offsets = [0, 0], sizes = [1023, 128], strides = [1, 1]} : vector<1024x128xf32> to vector<1023x128xf32>
    %concatenate3A_40 = tpu.concatenate %broadcast_in_dim3A_38, %slice3A_39 in 0 : vector<1x128xf32>, vector<1023x128xf32> -> vector<1024x128xf32>
    %slice3A_41 = vector.extract_strided_slice %max3A_36 {offsets = [1, 0], sizes = [1023, 128], strides = [1, 1]} : vector<1024x128xf32> to vector<1023x128xf32>
    %concatenate3A_42 = tpu.concatenate %slice3A_41, %broadcast_in_dim3A_38 in 0 : vector<1023x128xf32>, vector<1x128xf32> -> vector<1024x128xf32>
    %slice3A_43 = vector.extract_strided_slice %get3A_31 {offsets = [0, 0], sizes = [128, 32], strides = [1, 1]} : vector<384x32xf32> to vector<128x32xf32>
    %dot_general3A_44 = arith.constant dense<0.000000e+00> : vector<1024x32xf32>
    %dot_general3A_45 = tpu.matmul %concatenate3A_40, %slice3A_43, %dot_general3A_44 {dimension_numbers = #tpu.dot_dimension_numbers<[1], [0], [0], [1], [0, 0, 1, 1], [], []>, transpose_lhs_hint = false} : vector<1024x128xf32>, vector<128x32xf32>, vector<1024x32xf32> -> vector<1024x32xf32>
    %slice3A_46 = vector.extract_strided_slice %get3A_31 {offsets = [128, 0], sizes = [128, 32], strides = [1, 1]} : vector<384x32xf32> to vector<128x32xf32>
    %dot_general3A_47 = arith.constant dense<0.000000e+00> : vector<1024x32xf32>
    %dot_general3A_48 = tpu.matmul %max3A_36, %slice3A_46, %dot_general3A_47 {dimension_numbers = #tpu.dot_dimension_numbers<[1], [0], [0], [1], [0, 0, 1, 1], [], []>, transpose_lhs_hint = false} : vector<1024x128xf32>, vector<128x32xf32>, vector<1024x32xf32> -> vector<1024x32xf32>
    %add3A_49 = arith.addf %dot_general3A_45, %dot_general3A_48 : vector<1024x32xf32>
    %slice3A_50 = vector.extract_strided_slice %get3A_31 {offsets = [256, 0], sizes = [128, 32], strides = [1, 1]} : vector<384x32xf32> to vector<128x32xf32>
    %dot_general3A_51 = arith.constant dense<0.000000e+00> : vector<1024x32xf32>
    %dot_general3A_52 = tpu.matmul %concatenate3A_42, %slice3A_50, %dot_general3A_51 {dimension_numbers = #tpu.dot_dimension_numbers<[1], [0], [0], [1], [0, 0, 1, 1], [], []>, transpose_lhs_hint = false} : vector<1024x128xf32>, vector<128x32xf32>, vector<1024x32xf32> -> vector<1024x32xf32>
    %add3A_53 = arith.addf %add3A_49, %dot_general3A_52 : vector<1024x32xf32>
    %max3A_54 = arith.constant 0.000000e+00 : f32
    %max3A_55 = vector.broadcast %max3A_54 : f32 to vector<1024x32xf32>
    %max3A_56 = arith.maximumf %add3A_53, %max3A_55 : vector<1024x32xf32>
    %dot_general3A_57 = arith.constant dense<0.000000e+00> : vector<1024x128xf32>
    %dot_general3A_58 = tpu.matmul %max3A_56, %get3A_34, %dot_general3A_57 {dimension_numbers = #tpu.dot_dimension_numbers<[1], [0], [0], [1], [0, 0, 1, 1], [], []>, transpose_lhs_hint = false} : vector<1024x32xf32>, vector<32x128xf32>, vector<1024x128xf32> -> vector<1024x128xf32>
    %add3A_59 = arith.addf %add3A_28, %dot_general3A_58 : vector<1024x128xf32>
    %get3A_60 = arith.constant 0 : index
    %get3A_61 = arith.constant 0 : index
    %get3A_62 = vector.load %arg8[%get3A_60, %get3A_61] : memref<384x32xf32, #tpu.memory_space<vmem>>, vector<384x32xf32>
    %get3A_63 = arith.constant 0 : index
    %get3A_64 = arith.constant 0 : index
    %get3A_65 = vector.load %arg9[%get3A_63, %get3A_64] : memref<32x128xf32, #tpu.memory_space<vmem>>, vector<32x128xf32>
    %max3A_66 = arith.constant 0.000000e+00 : f32
    %max3A_67 = vector.broadcast %max3A_66 : f32 to vector<1024x128xf32>
    %max3A_68 = arith.maximumf %add3A_59, %max3A_67 : vector<1024x128xf32>
    %broadcast_in_dim3A_69 = arith.constant 0.000000e+00 : f32
    %broadcast_in_dim3A_70 = vector.broadcast %broadcast_in_dim3A_69 : f32 to vector<1x128xf32>
    %slice3A_71 = vector.extract_strided_slice %max3A_68 {offsets = [0, 0], sizes = [1023, 128], strides = [1, 1]} : vector<1024x128xf32> to vector<1023x128xf32>
    %concatenate3A_72 = tpu.concatenate %broadcast_in_dim3A_70, %slice3A_71 in 0 : vector<1x128xf32>, vector<1023x128xf32> -> vector<1024x128xf32>
    %slice3A_73 = vector.extract_strided_slice %max3A_68 {offsets = [1, 0], sizes = [1023, 128], strides = [1, 1]} : vector<1024x128xf32> to vector<1023x128xf32>
    %concatenate3A_74 = tpu.concatenate %slice3A_73, %broadcast_in_dim3A_70 in 0 : vector<1023x128xf32>, vector<1x128xf32> -> vector<1024x128xf32>
    %slice3A_75 = vector.extract_strided_slice %get3A_62 {offsets = [0, 0], sizes = [128, 32], strides = [1, 1]} : vector<384x32xf32> to vector<128x32xf32>
    %dot_general3A_76 = arith.constant dense<0.000000e+00> : vector<1024x32xf32>
    %dot_general3A_77 = tpu.matmul %concatenate3A_72, %slice3A_75, %dot_general3A_76 {dimension_numbers = #tpu.dot_dimension_numbers<[1], [0], [0], [1], [0, 0, 1, 1], [], []>, transpose_lhs_hint = false} : vector<1024x128xf32>, vector<128x32xf32>, vector<1024x32xf32> -> vector<1024x32xf32>
    %slice3A_78 = vector.extract_strided_slice %get3A_62 {offsets = [128, 0], sizes = [128, 32], strides = [1, 1]} : vector<384x32xf32> to vector<128x32xf32>
    %dot_general3A_79 = arith.constant dense<0.000000e+00> : vector<1024x32xf32>
    %dot_general3A_80 = tpu.matmul %max3A_68, %slice3A_78, %dot_general3A_79 {dimension_numbers = #tpu.dot_dimension_numbers<[1], [0], [0], [1], [0, 0, 1, 1], [], []>, transpose_lhs_hint = false} : vector<1024x128xf32>, vector<128x32xf32>, vector<1024x32xf32> -> vector<1024x32xf32>
    %add3A_81 = arith.addf %dot_general3A_77, %dot_general3A_80 : vector<1024x32xf32>
    %slice3A_82 = vector.extract_strided_slice %get3A_62 {offsets = [256, 0], sizes = [128, 32], strides = [1, 1]} : vector<384x32xf32> to vector<128x32xf32>
    %dot_general3A_83 = arith.constant dense<0.000000e+00> : vector<1024x32xf32>
    %dot_general3A_84 = tpu.matmul %concatenate3A_74, %slice3A_82, %dot_general3A_83 {dimension_numbers = #tpu.dot_dimension_numbers<[1], [0], [0], [1], [0, 0, 1, 1], [], []>, transpose_lhs_hint = false} : vector<1024x128xf32>, vector<128x32xf32>, vector<1024x32xf32> -> vector<1024x32xf32>
    %add3A_85 = arith.addf %add3A_81, %dot_general3A_84 : vector<1024x32xf32>
    %max3A_86 = arith.constant 0.000000e+00 : f32
    %max3A_87 = vector.broadcast %max3A_86 : f32 to vector<1024x32xf32>
    %max3A_88 = arith.maximumf %add3A_85, %max3A_87 : vector<1024x32xf32>
    %dot_general3A_89 = arith.constant dense<0.000000e+00> : vector<1024x128xf32>
    %dot_general3A_90 = tpu.matmul %max3A_88, %get3A_65, %dot_general3A_89 {dimension_numbers = #tpu.dot_dimension_numbers<[1], [0], [0], [1], [0, 0, 1, 1], [], []>, transpose_lhs_hint = false} : vector<1024x32xf32>, vector<32x128xf32>, vector<1024x128xf32> -> vector<1024x128xf32>
    %add3A_91 = arith.addf %add3A_59, %dot_general3A_90 : vector<1024x128xf32>
    %max3A_92 = arith.constant 0.000000e+00 : f32
    %max3A_93 = vector.broadcast %max3A_92 : f32 to vector<1024x128xf32>
    %max3A_94 = arith.maximumf %add3A_91, %max3A_93 : vector<1024x128xf32>
    %get3A_95 = arith.constant 0 : index
    %get3A_96 = arith.constant 0 : index
    %get3A_97 = vector.load %arg10[%get3A_95, %get3A_96] : memref<384x64xf32, #tpu.memory_space<vmem>>, vector<384x64xf32>
    %get3A_98 = arith.constant 0 : index
    %get3A_99 = arith.constant 0 : index
    %get3A_100 = vector.load %arg11[%get3A_98, %get3A_99] : memref<1x64xf32, #tpu.memory_space<vmem>>, vector<1x64xf32>
    %broadcast_in_dim3A_101 = arith.constant 0.000000e+00 : f32
    %broadcast_in_dim3A_102 = vector.broadcast %broadcast_in_dim3A_101 : f32 to vector<1x128xf32>
    %slice3A_103 = vector.extract_strided_slice %max3A_94 {offsets = [0, 0], sizes = [1023, 128], strides = [1, 1]} : vector<1024x128xf32> to vector<1023x128xf32>
    %concatenate3A_104 = tpu.concatenate %broadcast_in_dim3A_102, %slice3A_103 in 0 : vector<1x128xf32>, vector<1023x128xf32> -> vector<1024x128xf32>
    %slice3A_105 = vector.extract_strided_slice %max3A_94 {offsets = [1, 0], sizes = [1023, 128], strides = [1, 1]} : vector<1024x128xf32> to vector<1023x128xf32>
    %concatenate3A_106 = tpu.concatenate %slice3A_105, %broadcast_in_dim3A_102 in 0 : vector<1023x128xf32>, vector<1x128xf32> -> vector<1024x128xf32>
    %slice3A_107 = vector.extract_strided_slice %get3A_97 {offsets = [0, 0], sizes = [128, 64], strides = [1, 1]} : vector<384x64xf32> to vector<128x64xf32>
    %dot_general3A_108 = arith.constant dense<0.000000e+00> : vector<1024x64xf32>
    %dot_general3A_109 = tpu.matmul %concatenate3A_104, %slice3A_107, %dot_general3A_108 {dimension_numbers = #tpu.dot_dimension_numbers<[1], [0], [0], [1], [0, 0, 1, 1], [], []>, transpose_lhs_hint = false} : vector<1024x128xf32>, vector<128x64xf32>, vector<1024x64xf32> -> vector<1024x64xf32>
    %slice3A_110 = vector.extract_strided_slice %get3A_97 {offsets = [128, 0], sizes = [128, 64], strides = [1, 1]} : vector<384x64xf32> to vector<128x64xf32>
    %dot_general3A_111 = arith.constant dense<0.000000e+00> : vector<1024x64xf32>
    %dot_general3A_112 = tpu.matmul %max3A_94, %slice3A_110, %dot_general3A_111 {dimension_numbers = #tpu.dot_dimension_numbers<[1], [0], [0], [1], [0, 0, 1, 1], [], []>, transpose_lhs_hint = false} : vector<1024x128xf32>, vector<128x64xf32>, vector<1024x64xf32> -> vector<1024x64xf32>
    %add3A_113 = arith.addf %dot_general3A_109, %dot_general3A_112 : vector<1024x64xf32>
    %slice3A_114 = vector.extract_strided_slice %get3A_97 {offsets = [256, 0], sizes = [128, 64], strides = [1, 1]} : vector<384x64xf32> to vector<128x64xf32>
    %dot_general3A_115 = arith.constant dense<0.000000e+00> : vector<1024x64xf32>
    %dot_general3A_116 = tpu.matmul %concatenate3A_106, %slice3A_114, %dot_general3A_115 {dimension_numbers = #tpu.dot_dimension_numbers<[1], [0], [0], [1], [0, 0, 1, 1], [], []>, transpose_lhs_hint = false} : vector<1024x128xf32>, vector<128x64xf32>, vector<1024x64xf32> -> vector<1024x64xf32>
    %add3A_117 = arith.addf %add3A_113, %dot_general3A_116 : vector<1024x64xf32>
    %add3A_118 = vector.broadcast %get3A_100 : vector<1x64xf32> to vector<1024x64xf32>
    %add3A_119 = arith.addf %add3A_117, %add3A_118 : vector<1024x64xf32>
    %max3A_120 = arith.constant 0.000000e+00 : f32
    %max3A_121 = vector.broadcast %max3A_120 : f32 to vector<1024x64xf32>
    %max3A_122 = arith.maximumf %add3A_119, %max3A_121 : vector<1024x64xf32>
    %get3A_123 = arith.constant 0 : index
    %get3A_124 = arith.constant 0 : index
    %get3A_125 = vector.load %arg12[%get3A_123, %get3A_124] : memref<192x8xf32, #tpu.memory_space<vmem>>, vector<192x8xf32>
    %get3A_126 = arith.constant 0 : index
    %get3A_127 = arith.constant 0 : index
    %get3A_128 = vector.load %arg13[%get3A_126, %get3A_127] : memref<1x8xf32, #tpu.memory_space<vmem>>, vector<1x8xf32>
    %broadcast_in_dim3A_129 = arith.constant 0.000000e+00 : f32
    %broadcast_in_dim3A_130 = vector.broadcast %broadcast_in_dim3A_129 : f32 to vector<1x64xf32>
    %slice3A_131 = vector.extract_strided_slice %max3A_122 {offsets = [0, 0], sizes = [1023, 64], strides = [1, 1]} : vector<1024x64xf32> to vector<1023x64xf32>
    %concatenate3A_132 = tpu.concatenate %broadcast_in_dim3A_130, %slice3A_131 in 0 : vector<1x64xf32>, vector<1023x64xf32> -> vector<1024x64xf32>
    %slice3A_133 = vector.extract_strided_slice %max3A_122 {offsets = [1, 0], sizes = [1023, 64], strides = [1, 1]} : vector<1024x64xf32> to vector<1023x64xf32>
    %concatenate3A_134 = tpu.concatenate %slice3A_133, %broadcast_in_dim3A_130 in 0 : vector<1023x64xf32>, vector<1x64xf32> -> vector<1024x64xf32>
    %slice3A_135 = vector.extract_strided_slice %get3A_125 {offsets = [0, 0], sizes = [64, 8], strides = [1, 1]} : vector<192x8xf32> to vector<64x8xf32>
    %dot_general3A_136 = arith.constant dense<0.000000e+00> : vector<1024x8xf32>
    %dot_general3A_137 = tpu.matmul %concatenate3A_132, %slice3A_135, %dot_general3A_136 {dimension_numbers = #tpu.dot_dimension_numbers<[1], [0], [0], [1], [0, 0, 1, 1], [], []>, transpose_lhs_hint = false} : vector<1024x64xf32>, vector<64x8xf32>, vector<1024x8xf32> -> vector<1024x8xf32>
    %slice3A_138 = vector.extract_strided_slice %get3A_125 {offsets = [64, 0], sizes = [64, 8], strides = [1, 1]} : vector<192x8xf32> to vector<64x8xf32>
    %dot_general3A_139 = arith.constant dense<0.000000e+00> : vector<1024x8xf32>
    %dot_general3A_140 = tpu.matmul %max3A_122, %slice3A_138, %dot_general3A_139 {dimension_numbers = #tpu.dot_dimension_numbers<[1], [0], [0], [1], [0, 0, 1, 1], [], []>, transpose_lhs_hint = false} : vector<1024x64xf32>, vector<64x8xf32>, vector<1024x8xf32> -> vector<1024x8xf32>
    %add3A_141 = arith.addf %dot_general3A_137, %dot_general3A_140 : vector<1024x8xf32>
    %slice3A_142 = vector.extract_strided_slice %get3A_125 {offsets = [128, 0], sizes = [64, 8], strides = [1, 1]} : vector<192x8xf32> to vector<64x8xf32>
    %dot_general3A_143 = arith.constant dense<0.000000e+00> : vector<1024x8xf32>
    %dot_general3A_144 = tpu.matmul %concatenate3A_134, %slice3A_142, %dot_general3A_143 {dimension_numbers = #tpu.dot_dimension_numbers<[1], [0], [0], [1], [0, 0, 1, 1], [], []>, transpose_lhs_hint = false} : vector<1024x64xf32>, vector<64x8xf32>, vector<1024x8xf32> -> vector<1024x8xf32>
    %add3A_145 = arith.addf %add3A_141, %dot_general3A_144 : vector<1024x8xf32>
    %add3A_146 = vector.broadcast %get3A_128 : vector<1x8xf32> to vector<1024x8xf32>
    %add3A_147 = arith.addf %add3A_145, %add3A_146 : vector<1024x8xf32>
    %swap3A = arith.constant 0 : index
    %swap3A_148 = arith.constant 0 : index
    %swap3A_149 = arith.constant 0 : index
    %swap3A_150 = vector.load %arg14[%swap3A, %swap3A_148, %swap3A_149] : memref<1x1024x8xf32, #tpu.memory_space<vmem>>, vector<1x1024x8xf32>
    %swap3A_151 = vector.shape_cast %swap3A_150 : vector<1x1024x8xf32> to vector<1024x8xf32>
    %swap3A_152 = vector.shape_cast %add3A_147 : vector<1024x8xf32> to vector<1x1024x8xf32>
    tpu.vector_store %arg14[%swap3A, %swap3A_148, %swap3A_149], %swap3A_152 {strides = array<i32>} : memref<1x1024x8xf32, #tpu.memory_space<vmem>>, vector<1x1024x8xf32>,
    %sub3A = arith.subf %get3A_3, %get3A_8 : vector<1024x128xf32>
    %integer_pow3A = arith.mulf %sub3A, %sub3A : vector<1024x128xf32>
    %reduce_sum3A = vector.shape_cast %integer_pow3A : vector<1024x128xf32> to vector<1x1024x128xf32>
    %reduce_sum3A_153 = arith.constant dense<0.000000e+00> : vector<1xf32>
    %reduce_sum3A_154 = vector.multi_reduction <add>, %reduce_sum3A, %reduce_sum3A_153 [1, 2] : vector<1x1024x128xf32> to vector<1xf32>
    %reduce_sum3A_155 = vector.shape_cast %reduce_sum3A_154 : vector<1xf32> to vector<1x1x1xf32>
    %reduce_sum3A_156 = vector.extract %reduce_sum3A_155[0, 0, 0] : f32 from vector<1x1x1xf32>
    %eq3A = arith.constant 0 : i32
    %eq3A_157 = arith.cmpi eq, %arg0, %eq3A : i32
    %convert_element_type3A = arith.extui %eq3A_157 : i1 to i32
    %cond3A = arith.constant 0 : i32
    %cond3A_158 = arith.cmpi ne, %convert_element_type3A, %cond3A : i32
    scf.if %cond3A_158 {
      %swap3A_168 = arith.constant 0 : index
      %swap3A_169 = arith.constant 0 : index
      %swap3A_170 = memref.load %arg17[%swap3A_168, %swap3A_169] : memref<1x1xf32, #tpu.memory_space<smem>>
      memref.store %reduce_sum3A_156, %arg17[%swap3A_168, %swap3A_169] : memref<1x1xf32, #tpu.memory_space<smem>>
    } else {
    }
    %gt3A = arith.constant 0 : i32
    %gt3A_159 = arith.cmpi sgt, %arg0, %gt3A : i32
    %convert_element_type3A_160 = arith.extui %gt3A_159 : i1 to i32
    %cond3A_161 = arith.constant 0 : i32
    %cond3A_162 = arith.cmpi ne, %convert_element_type3A_160, %cond3A_161 : i32
    scf.if %cond3A_162 {
      %get3A_168 = arith.constant 0 : index
      %get3A_169 = arith.constant 0 : index
      %get3A_170 = memref.load %arg17[%get3A_168, %get3A_169] : memref<1x1xf32, #tpu.memory_space<smem>>
      %add3A_171 = arith.addf %get3A_170, %reduce_sum3A_156 : f32
      %swap3A_172 = arith.constant 0 : index
      %swap3A_173 = arith.constant 0 : index
      %swap3A_174 = memref.load %arg17[%swap3A_172, %swap3A_173] : memref<1x1xf32, #tpu.memory_space<smem>>
      memref.store %add3A_171, %arg17[%swap3A_172, %swap3A_173] : memref<1x1xf32, #tpu.memory_space<smem>>
    } else {
    }
    %eq3A_163 = arith.constant 7 : i32
    %eq3A_164 = arith.cmpi eq, %arg0, %eq3A_163 : i32
    %convert_element_type3A_165 = arith.extui %eq3A_164 : i1 to i32
    %cond3A_166 = arith.constant 0 : i32
    %cond3A_167 = arith.cmpi ne, %convert_element_type3A_165, %cond3A_166 : i32
    scf.if %cond3A_167 {
      %get3A_168 = arith.constant 0 : index
      %get3A_169 = arith.constant 0 : index
      %get3A_170 = memref.load %arg17[%get3A_168, %get3A_169] : memref<1x1xf32, #tpu.memory_space<smem>>
      %mul3A = arith.constant 1.250000e+00 : f32
      %mul3A_171 = arith.mulf %mul3A, %get3A_170 : f32
      %div3A = arith.constant 0x49800000 : f32
      %div3A_172 = arith.divf %mul3A_171, %div3A : f32
      %broadcast_in_dim3A_173 = vector.broadcast %div3A_172 : f32 to vector<1x1xf32>
      %swap3A_174 = arith.constant 0 : index
      %swap3A_175 = arith.constant 0 : index
      %swap3A_176 = vector.load %arg15[%swap3A_174, %swap3A_175] : memref<1x1xf32, #tpu.memory_space<vmem>>, vector<1x1xf32>
      tpu.vector_store %arg15[%swap3A_174, %swap3A_175], %broadcast_in_dim3A_173 {strides = array<i32>} : memref<1x1xf32, #tpu.memory_space<vmem>>, vector<1x1xf32>,
      %get3A_177 = arith.constant 0 : index
      %get3A_178 = arith.constant 0 : index
      %get3A_179 = vector.load %arg3[%get3A_177, %get3A_178] : memref<8192x1xf32, #tpu.memory_space<vmem>>, vector<8192x1xf32>
      %mul3A_180 = arith.constant 1.22070313E-4 : f32
      %mul3A_181 = vector.broadcast %mul3A_180 : f32 to vector<8192x1xf32>
      %mul3A_182 = arith.mulf %get3A_179, %mul3A_181 : vector<8192x1xf32>
      %add3A_183 = arith.constant 1.000000e-10 : f32
      %add3A_184 = vector.broadcast %add3A_183 : f32 to vector<8192x1xf32>
      %add3A_185 = arith.addf %mul3A_182, %add3A_184 : vector<8192x1xf32>
      %log3A = math.log %add3A_185 : vector<8192x1xf32>
      %mul3A_186 = arith.mulf %mul3A_182, %log3A : vector<8192x1xf32>
      %reduce_sum3A_187 = vector.shape_cast %mul3A_186 : vector<8192x1xf32> to vector<1x8192x1xf32>
      %reduce_sum3A_188 = arith.constant dense<0.000000e+00> : vector<1xf32>
      %reduce_sum3A_189 = vector.multi_reduction <add>, %reduce_sum3A_187, %reduce_sum3A_188 [1, 2] : vector<1x8192x1xf32> to vector<1xf32>
      %reduce_sum3A_190 = vector.shape_cast %reduce_sum3A_189 : vector<1xf32> to vector<1x1x1xf32>
      %reduce_sum3A_191 = vector.extract %reduce_sum3A_190[0, 0, 0] : f32 from vector<1x1x1xf32>
      %neg3A = arith.constant 0.000000e+00 : f32
      %neg3A_192 = arith.subf %neg3A, %reduce_sum3A_191 : f32
      %exp3A = math.exp %neg3A_192 : f32
      %broadcast_in_dim3A_193 = vector.broadcast %exp3A : f32 to vector<1x1xf32>
      %swap3A_194 = arith.constant 0 : index
      %swap3A_195 = arith.constant 0 : index
      %swap3A_196 = vector.load %arg16[%swap3A_194, %swap3A_195] : memref<1x1xf32, #tpu.memory_space<vmem>>, vector<1x1xf32>
      tpu.vector_store %arg16[%swap3A_194, %swap3A_195], %broadcast_in_dim3A_193 {strides = array<i32>} : memref<1x1xf32, #tpu.memory_space<vmem>>, vector<1x1xf32>,
    } else {
    }
    return
  }
  func.func @transform_0(%arg0: i32) -> (i32, i32, i32) {
    %c0_i32 = arith.constant 0 : i32
    %c0_i32_0 = arith.constant 0 : i32
    %c0_i32_1 = arith.constant 0 : i32
    return %arg0, %c0_i32, %c0_i32_0 : i32, i32, i32
  }
  func.func @transform_1(%arg0: i32) -> (i32, i32, i32) {
    %c0_i32 = arith.constant 0 : i32
    %c0_i32_0 = arith.constant 0 : i32
    %c0_i32_1 = arith.constant 0 : i32
    return %arg0, %c0_i32, %c0_i32_0 : i32, i32, i32
  }
  func.func @transform_2(%arg0: i32) -> (i32, i32) {
    %c0_i32 = arith.constant 0 : i32
    %c0_i32_0 = arith.constant 0 : i32
    %c0_i32_1 = arith.constant 0 : i32
    return %c0_i32, %c0_i32_0 : i32, i32
  }
  func.func @transform_3(%arg0: i32) -> (i32, i32) {
    %c0_i32 = arith.constant 0 : i32
    %c0_i32_0 = arith.constant 0 : i32
    %c0_i32_1 = arith.constant 0 : i32
    return %c0_i32, %c0_i32_0 : i32, i32
  }
  func.func @transform_4(%arg0: i32) -> (i32, i32) {
    %c0_i32 = arith.constant 0 : i32
    %c0_i32_0 = arith.constant 0 : i32
    %c0_i32_1 = arith.constant 0 : i32
    return %c0_i32, %c0_i32_0 : i32, i32
  }
  func.func @transform_5(%arg0: i32) -> (i32, i32) {
    %c0_i32 = arith.constant 0 : i32
    %c0_i32_0 = arith.constant 0 : i32
    %c0_i32_1 = arith.constant 0 : i32
    return %c0_i32, %c0_i32_0 : i32, i32
  }
  func.func @transform_6(%arg0: i32) -> (i32, i32) {
    %c0_i32 = arith.constant 0 : i32
    %c0_i32_0 = arith.constant 0 : i32
    %c0_i32_1 = arith.constant 0 : i32
    return %c0_i32, %c0_i32_0 : i32, i32
  }
  func.func @transform_7(%arg0: i32) -> (i32, i32) {
    %c0_i32 = arith.constant 0 : i32
    %c0_i32_0 = arith.constant 0 : i32
    %c0_i32_1 = arith.constant 0 : i32
    return %c0_i32, %c0_i32_0 : i32, i32
  }
  func.func @transform_8(%arg0: i32) -> (i32, i32) {
    %c0_i32 = arith.constant 0 : i32
    %c0_i32_0 = arith.constant 0 : i32
    %c0_i32_1 = arith.constant 0 : i32
    return %c0_i32, %c0_i32_0 : i32, i32
  }
  func.func @transform_9(%arg0: i32) -> (i32, i32) {
    %c0_i32 = arith.constant 0 : i32
    %c0_i32_0 = arith.constant 0 : i32
    %c0_i32_1 = arith.constant 0 : i32
    return %c0_i32, %c0_i32_0 : i32, i32
  }
  func.func @transform_10(%arg0: i32) -> (i32, i32) {
    %c0_i32 = arith.constant 0 : i32
    %c0_i32_0 = arith.constant 0 : i32
    %c0_i32_1 = arith.constant 0 : i32
    return %c0_i32, %c0_i32_0 : i32, i32
  }
  func.func @transform_11(%arg0: i32) -> (i32, i32) {
    %c0_i32 = arith.constant 0 : i32
    %c0_i32_0 = arith.constant 0 : i32
    %c0_i32_1 = arith.constant 0 : i32
    return %c0_i32, %c0_i32_0 : i32, i32
  }
  func.func @transform_12(%arg0: i32) -> (i32, i32) {
    %c0_i32 = arith.constant 0 : i32
    %c0_i32_0 = arith.constant 0 : i32
    %c0_i32_1 = arith.constant 0 : i32
    return %c0_i32, %c0_i32_0 : i32, i32
  }
  func.func @transform_13(%arg0: i32) -> (i32, i32, i32) {
    %c0_i32 = arith.constant 0 : i32
    %c0_i32_0 = arith.constant 0 : i32
    %c0_i32_1 = arith.constant 0 : i32
    return %arg0, %c0_i32, %c0_i32_0 : i32, i32, i32
  }
  func.func @transform_14(%arg0: i32) -> (i32, i32) {
    %c0_i32 = arith.constant 0 : i32
    %c0_i32_0 = arith.constant 0 : i32
    %c0_i32_1 = arith.constant 0 : i32
    return %c0_i32, %c0_i32_0 : i32, i32
  }
  func.func @transform_15(%arg0: i32) -> (i32, i32) {
    %c0_i32 = arith.constant 0 : i32
    %c0_i32_0 = arith.constant 0 : i32
    %c0_i32_1 = arith.constant 0 : i32
    return %c0_i32, %c0_i32_0 : i32, i32
  }
}

</mosaic_0001>

<sc_bundles>
// kernel: kernel.7.cloned.1.call-start
scs
__scs_entry_jumppad:
0x0: {  	(pc) =	sbr.rel $0x88, $3  }
0x1: {  	(tag) =	ssettag $0x0;
	lr =	simm.s32 $0x1  }
0x2: {  	[smem:$0x3F89] =	sst lr;
	_ =	strace $0xD0000000  }
0x3: {  	_ = 	snop  }
0x4: {  	_ = 	snop  }
0x5: {  	_ = 	snop  }
0x6: {  	_ = 	snop  }
0x7: {  	_ = 	snop  }
__scs_overlays_trampoline_lowered:
0x8: {  	[smem:$0x3F98] =	sst s0  }
0x9: {  	[smem:$0x3F99] =	sst s1  }
0xa: {  	[smem:$0x3F9A] =	sst s2  }
0xb: {  	[smem:$0x3F9B] =	sst s3  }
0xc: {  	[smem:$0x3F9C] =	sst s4  }
0xd: {  	[smem:$0x3F9D] =	sst s5  }
0xe: {  	[smem:$0x3F9E] =	sst s6  }
0xf: {  	[smem:$0x3F9F] =	sst s7  }
0x10: {  	[smem:$0x3FA0] =	sst s8  }
0x11: {  	[smem:$0x3FA1] =	sst s9;
	s0 =	simm.s32 @!p0 $0x0  }
0x12: {  	s1 =	sld [smem:$0x3F87];
	s0 =	simm.s32 @p0 $0x1  }
0x13: {  	[smem:$0x3FA2] =	sst s0;
	s0 =	simm.s32 @!p1 $0x0  }
0x14: {  	s2 =	sld [smem:$0x3F86];
	s0 =	simm.s32 @p1 $0x1  }
0x15: {  	[smem:$0x3FA3] =	sst s0;
	s0 =	simm.s32 @!p2 $0x0  }
0x16: {  	s3 =	sld [smem:$0x3FDB];
	s0 =	simm.s32 @p2 $0x1  }
0x17: {  	s4 =	simm.s32 $0x1BF5;
	[smem:$0x3FA5] =	sst s0  }
0x18: {  	s0 =	sld [smem:$0x3F88];
	_ =	swait.ge [sflag:s4], $0x0  }
0x19: {  	s7 =	sld [smem:$0x3F89]  }
0x1a: {  	s8 =	sadd.s32 $0xFFFFE003, lr  }
0x1b: {  	s9 =	sadd.s32 $0xFFFFFEF7, lr;
	s5 =	simm.s32 $0xFFFFFFFF;
	p2 =	slt.u32 s8, $0xFFFFF086  }
0x1c: {  	p1 =	slt.u32 s9, $0xF7A;
	s5 =	simm.s32 @!p2 $0x0  }
0x1d: {  	s5 =	simm.s32 @p1 $0x1;
	p0 =	seq.s32 s7, s2  }
0x1e: {  	s7 =	smul.u32 @!p0 $0xF7A, s2;
	p2 =	seq.s32 @!p0 s5, $0x0  }
0x1f: {  	s9 =	smul.u32 $0xF7A, s1;
	s8 =	simm.s32 @!p0 $0x1BF5;
	p2 =	por !p2, p0  }
0x20: {  	[sflag:s8] =	ssyncset.s32 @!p0 $0xFFFFF086;
	s6 =	sadd.s32 @!p0 s3, s7;
	s7 =	simm.s32 @!p0 $0x108  }
0x21: {  	s3 =	sadd.s32 s3, s9;
	s6 =	sadd.s32 @!p0 $0x88, s6;
	s7 =	simm.s32 @p2 $0x1082  }
0x22: {  	[simem:s7], [sflag:s8] =	dma.local @!p0 [hbm:s6], $0xF7A  }
0x23: {  	s9 =	sor.u32 $0xD0000000, s2;
	s6 =	simm.s32 $0x108;
	_ =	swait.ge @!p0 [sflag:s8], $0x0  }
0x24: {  	s3 =	sadd.s32 $0x88, s3;
	s6 =	simm.s32 @!p1 $0x1082;
	[sflag:s4] =	ssyncset.s32 $0xFFFFF086  }
0x25: {  	[simem:s6], [sflag:s4] =	dma.local [hbm:s3], $0xF7A  }
0x26: {  	[smem:$0x3F89] =	sst s1;
	(tag) =	ssettag s2;
	_ =	strace s9  }
0x27: {  	s1 =	sld [smem:$0x3F99]  }
0x28: {  	s2 =	sld [smem:$0x3F9A]  }
0x29: {  	s4 =	sld [smem:$0x3F9C]  }
0x2a: {  	p0 =	seq.s32 s5, $0x0;
	s5 =	sld [smem:$0x3F9D]  }
0x2b: {  	s6 =	sld [smem:$0x3F9E]  }
0x2c: {  	s7 =	sld [smem:$0x3F9F]  }
0x2d: {  	s3 =	simm.s32 $0x108;
	s8 =	sld [smem:$0x3FA0]  }
0x2e: {  	s3 =	simm.s32 @!p0 $0x1082;
	s9 =	sld [smem:$0x3FA1]  }
0x2f: {  	lr =	sadd.s32 s0, s3;
	s0 =	sld [smem:$0x3F98]  }
0x30: {  	s3 =	sld [smem:$0x3F9B]  }
0x31: {  	[smem:$0x3FA4] =	sst s10  }
0x32: {  	s10 =	sld [smem:$0x3FA2];
	_ =	sdelay $0x3  }
0x33: {  	p0 =	seq.s32 s10, $0x1;
	s10 =	sld [smem:$0x3FA4];
	_ =	sdelay $0x3  }
0x34: {  	[smem:$0x3FA4] =	sst s10  }
0x35: {  	s10 =	sld [smem:$0x3FA3];
	_ =	sdelay $0x3  }
0x36: {  	p1 =	seq.s32 s10, $0x1;
	s10 =	sld [smem:$0x3FA4];
	_ =	sdelay $0x3  }
0x37: {  	[smem:$0x3FA4] =	sst s10  }
0x38: {  	s10 =	sld [smem:$0x3FA5]  }
0x39: {  	_ = 	snop;
	(pc) =	sbr.ind lr, $3  }
0x3a: {  	_ = 	snop  }
0x3b: {  	_ = 	snop  }
0x3c: {  	p2 =	seq.s32 s10, $0x1;
	s10 =	sld [smem:$0x3FA4]  }
0x3d: {  	_ =	shalt  }
0x3e: {  	_ =	shalt  }
0x3f: {  	_ =	shalt  }
0x40: {  	_ =	shalt  }
0x41: {  	_ =	shalt  }
0x42: {  	_ =	shalt  }
0x43: {  	_ =	shalt  }
0x44: {  	_ =	shalt  }
0x45: {  	_ =	shalt  }
0x46: {  	_ =	shalt  }
0x47: {  	_ =	shalt  }
0x48: {  	_ =	shalt  }
0x49: {  	_ =	shalt  }
0x4a: {  	_ =	shalt  }
0x4b: {  	_ =	shalt  }
0x4c: {  	_ =	shalt  }
0x4d: {  	_ =	shalt  }
0x4e: {  	_ =	shalt  }
0x4f: {  	_ =	shalt  }
0x50: {  	_ =	shalt  }
0x51: {  	_ =	shalt  }
0x52: {  	_ =	shalt  }
0x53: {  	_ =	shalt  }
0x54: {  	_ =	shalt  }
0x55: {  	_ =	shalt  }
0x56: {  	_ =	shalt  }
0x57: {  	_ =	shalt  }
0x58: {  	_ =	shalt  }
0x59: {  	_ =	shalt  }
0x5a: {  	_ =	shalt  }
0x5b: {  	_ =	shalt  }
0x5c: {  	_ =	shalt  }
0x5d: {  	_ =	shalt  }
0x5e: {  	_ =	shalt  }
0x5f: {  	_ =	shalt  }
0x60: {  	_ =	shalt  }
0x61: {  	_ =	shalt  }
0x62: {  	_ =	shalt  }
0x63: {  	_ =	shalt  }
0x64: {  	_ =	shalt  }
0x65: {  	_ =	shalt  }
0x66: {  	_ =	shalt  }
0x67: {  	_ =	shalt  }
0x68: {  	_ =	shalt  }
0x69: {  	_ =	shalt  }
0x6a: {  	_ =	shalt  }
0x6b: {  	_ =	shalt  }
0x6c: {  	_ =	shalt  }
0x6d: {  	_ =	shalt  }
0x6e: {  	_ =	shalt  }
0x6f: {  	_ =	shalt  }
0x70: {  	_ =	shalt  }
0x71: {  	_ =	shalt  }
0x72: {  	_ =	shalt  }
0x73: {  	_ =	shalt  }
0x74: {  	_ =	shalt  }
0x75: {  	_ =	shalt  }
0x76: {  	_ =	shalt  }
0x77: {  	_ =	shalt  }
0x78: {  	_ =	shalt  }
0x79: {  	_ =	shalt  }
0x7a: {  	_ =	shalt  }
0x7b: {  	_ =	shalt  }
0x7c: {  	_ =	shalt  }
0x7d: {  	_ =	shalt  }
0x7e: {  	_ =	shalt  }
0x7f: {  	_ =	shalt  }
0x80: {  	_ =	shalt  }
0x81: {  	_ =	shalt  }
0x82: {  	_ =	shalt  }
0x83: {  	_ =	shalt  }
0x84: {  	_ =	shalt  }
0x85: {  	_ =	shalt  }
0x86: {  	_ =	shalt  }
0x87: {  	_ =	shalt  }
.Lfunc_end0:
.L_simem_size_0:
called_computation_lowered:
.L_overlay_start_0:
0x88: {  	s2 =	sld [smem:$0x3FD9]  }
0x89: {  	s3 =	sld [smem:$0x3FFE];
	_ =	sdelay $0x1  }
0x8a: {  	s1 =	srdreg.scid  }
0x8b: {  	s0 =	sand.u32 $0x1, s1  }
0x8c: {  	s14 =	sshll.u32 s0, $0xA;
	s2 =	sadd.s32 s3, s2  }
0x8d: {  	s2 =	sadd.s32 s2, s14  }
0x8e: {  	[smem:$0x3FB0] =	sst s2  }
0x8f: {  	_ = 	snop  }
0x90: {  	s2 =	sld [smem:$0x3FD0];
	_ =	sdelay $0x2  }
0x91: {  	s4 =	simm.s32 $0xA;
	s5 =	simm.s32 $0x10;
	s15 =	sld [smem:$0x3FBE]  }
0x92: {  	[smem:s5], [sflag:s4] =	dma.local [hbm:s2], $0x1  }
0x93: {  	_ =	swait.eq [sflag:s4], $0x1  }
0x94: {  	[sflag:s4] =	ssyncset.done $0x0  }
0x95: {  	[sflag:s4] =	ssyncadd.s32 $0xFFFFFFFF  }
0x96: {  	s16 =	sld [smem:$0x11];
	(tm) =	ssettm $0x1  }
0x97: {  	s17 =	sld [smem:$0x3FFB];
	_ =	sdelay $0x3  }
0x98: {  	_ =	strace s17  }
0x99: {  	s4 =	sld [smem:$0x3FFC];
	_ =	sdelay $0x3  }
0x9a: {  	_ =	strace s4  }
0x9b: {  	s4 =	sld [smem:$0x3FFD];
	_ =	sdelay $0x3  }
0x9c: {  	_ =	strace s4  }
0x9d: {  	_ =	strace $0x8FFFFFFF  }
0x9e: {  	s18 =	sld [smem:$0x3FDB];
	_ =	sdelay $0x1  }
0x9f: {  	s19 =	simm.s32 $_scs_section_size  }
0xa0: {  	s6 =	simm.s32 $_size__tile_overlayer_lowered;
	s7 =	simm.s32 $_tile_overlayer_lowered  }
0xa1: {  	s22 =	simm.s32 $0x1BFF;
	s21 =	sshll.u32 s7, $0x1;
	s4 =	sadd.s32 s19, s18  }
0xa2: {  	s8 =	simm.s32 $0x0;
	s20 =	sshll.u32 s6, $0x1;
	s6 =	sadd.s32 s21, s4  }
0xa3: {  	[timem:s8], [sflag:s22] =	dma.local [hbm:s6], s20  }
0xa4: {  	_ =	swait.ge [sflag:s22], s20  }
0xa5: {  	s5 =	ssub.s32 $0x0, s20;
	[sflag:s22] =	ssyncset.done $0x0  }
0xa6: {  	[sflag:s22] =	ssyncadd.s32 s5;
	_ =	sdelay $0x1  }
0xa7: {  	s23 =	simm.s32 $0x1B8B  }
0xa8: {  	_ =	swait.ge [sflag:s23], $0x1  }
0xa9: {  	[sflag:s23] =	ssyncset.done $0x0  }
0xaa: {  	s25 =	simm.s32 $0x1B8E;
	s24 =	sld [smem:$0x3FFE];
	[sflag:s23] =	ssyncadd.s32 $0xFFFFFFFF  }
0xab: {  	s26 =	simm.s32 $execute0_lowered;
	[smem:$0x3FD2] =	sst s25  }
0xac: {  	s6 =	sshll.u32 s26, $0x1;
	_ =	strace $0x80000046;
	[dreg:$0x1] =	wrdreg $0xFFFFFFFF  }
0xad: {  	s28 =	simm.s32 $_size_execute0_lowered;
	s4 =	sadd.s32 s4, s6;
	[dreg:$0x0] =	wrdreg $0x0  }
0xae: {  	s6 =	sshll.u32 s28, $0x1;
	[dreg:$0x2] =	wrdreg s4  }
0xaf: {  	[dreg:$0x3] =	wrdreg s6  }
0xb0: {  	[dreg:$0x4] =	wrdreg $0xC0  }
0xb1: {  	_ =	task [dreg:s8], $0x5FFFF  }
0xb2: {  	[dreg:$0x1] =	wrdreg $0xFFFFFFFF  }
0xb3: {  	[dreg:$0x0] =	wrdreg $0x60  }
0xb4: {  	[dreg:$0x2] =	wrdreg s15  }
0xb5: {  	[dreg:$0x3] =	wrdreg s16  }
0xb6: {  	[dreg:$0x4] =	wrdreg s24  }
0xb7: {  	[dreg:$0x5] =	wrdreg $0x9  }
0xb8: {  	_ =	task.clear_ibuf [dreg:s8], $0x6FFFF;
	_ =	strace $0x90000046  }
0xb9: {  	s29 =	simm.s32 $0x9;
	_ =	strace $0x80000048  }
0xba: {  	_ =	swait.ge [sflag:s29], $0x1  }
0xbb: {  	[sflag:s29] =	ssyncadd.s32 $0xFFFFFFFF  }
0xbc: {  	_ =	strace $0x90000048  }
0xbd: {  	_ =	sfence  }
0xbe: {  	s30 =	sld [smem:$0x0];
	_ =	sdelay $0x2  }
0xbf: {  	s31 =	sshll.u32 s1, $0xD;
	s1 =	sshrl.u32 s1, $0x2  }
0xc0: {  	s3 =	sand.u32 $0x4000, s31;
	s1 =	sadd.s32 s1, s30  }
0xc1: {  	s0 =	sor.u32 s3, s0;
	s1 =	sshll.u32 s1, $0x11  }
0xc2: {  	s0 =	sor.u32 s1, s0  }
0xc3: {  	s0 =	sadd.s32 $0x8F2B, s0  }
0xc4: {  	[sflag:s0] =	ssyncadd.remote.s32 $0x1  }
0xc5: {  	_ =	sfence.sel $0xFFFF  }
0xc6: {  	[dreg:$0x0] =	wrdreg $0xFFFFFFFF;
	(pc) =	sbr.abs _section_cstart, $3  }
0xc7: {  	[dreg:$0x1] =	wrdreg $0xFFFFFFFF  }
0xc8: {  	_ =	task.clear_ibuf [dreg:s8], $0x2FFFF;
	_ =	strace $0x9FFFFFFF  }
0xc9: {  	(tm) =	ssettm $0x7FFFFFFF  }
tec
execute0_lowered:
.L_overlay_start_1:
0x0: {  	(tag) =	ssettag $0x1  }
0x1: {  	s2 =	rddreg [dreg:$0x0];
	s0 =	srdreg.scid  }
0x2: {  	s4 =	rddreg [dreg:$0x1];
	s10 =	sand.u32 $0x1, s0  }
0x3: {  	s9 =	rddreg [dreg:$0x2];
	s1 =	stileid.u32;
	s3 =	sshll.u32 s10, $0x4  }
0x4: {  	s0 =	rddreg [dreg:$0x3];
	s5 =	sshll.u32 s1, $0x5;
	s11 =	sor.u32 s1, s3  }
0x5: {  	s5 =	sand.u32 $0x60, s5;
	s3 =	simm.s32 $0x0;
	s6 =	sshll.u32 s11, $0x5  }
0x6: {  	s4 =	sadd.s32 s4, s5;
	[smem:$0x7FF] =	sst s3;
	s6 =	sand.u32 $0x380, s6  }
0x7: {  	_ =	strace $0x80000047;
	s5 =	sadd.s32 s6, s4;
	s4 =	simm.s32 $0x2  }
0x8: {  	[tilespmem:s3], [sflag:$0x2] =	stream.linear.gather [hbm4b:s5+s3], $0x100, $0x38;
	[tilespmem:$0x4100] =	vst v63  }
0x9: {  	_ =	swait.ge [sflag:s4], $0x100  }
0xa: {  	s7 =	simm.s32 $0x100;
	[sflag:s4] =	ssyncset.done $0x0  }
0xb: {  	s8 =	simm.s32 $0x1;
	s6 =	simm.s32 $0x80;
	[sflag:s4] =	ssyncadd.s32 $0xFFFFFF00  }
0xc: {  	[tilespmem:s7], [sflag:$0x1] =	stream.indirect.gather [hbm4b:s2+s6], $0x80, s3, s6, $0xb8;
	[tilespmem:$0x4100] =	vst v63  }
0xd: {  	s11 =	sshll.u32 s11, $0xC;
	_ =	swait.ge [sflag:s8], $0x4000  }
0xe: {  	s11 =	sadd.s32 s11, s9;
	[sflag:s8] =	ssyncset.done $0x0  }
0xf: {  	s10 =	ssub.s32 $0x2, s10;
	s9 =	sadd.s32 $0x3400, s11;
	[sflag:s8] =	ssyncadd.s32 $0xFFFFC000  }
0x10: {  	[hbm4b:s9+s3] =	stream.linear.scatter [tilespmem:s7], [sflag:$0x2], $0x4000, $0x38;
	[tilespmem:$0x4100] =	vst v63  }
0x11: {  	s12 =	sshrl.u32 s10, $0x1;
	_ =	swait.ge [sflag:s4], $0x4000  }
0x12: {  	s12 =	ssub.s32 s10, s12;
	[sflag:s4] =	ssyncset.done $0x0  }
0x13: {  	s31 =	smax.u32 s12, $0x1;
	[sflag:s4] =	ssyncadd.s32 $0xFFFFC000  }
0x14: {  	[tilespmem:s7], [sflag:$0x1] =	stream.indirect.gather [hbm4b:s2+s6], $0x80, s6, s6, $0xb8;
	[tilespmem:$0x4100] =	vst v63  }
0x15: {  	p0 =	sne.s32 s31, $0x1;
	_ =	swait.ge [sflag:s8], $0x4000  }
.Ltmp0:
0x16: {  	[sflag:s8] =	ssyncset.done $0x0;
	(pc) =	sbr.rel @!p0 .LBB2_2-.Ltmp0, $4  }
0x17: {  	s10 =	sadd.s32 $0x3C00, s11;
	[sflag:s8] =	ssyncadd.s32 $0xFFFFC000  }
0x18: {  	[hbm4b:s10+s3] =	stream.linear.scatter [tilespmem:s7], [sflag:$0x2], $0x4000, $0x38;
	[tilespmem:$0x4100] =	vst v63  }
0x19: {  	_ =	swait.ge [sflag:s4], $0x4000  }
0x1a: {  	s11 =	sadd.s32 $0xFFFFFFFF, s31;
	[sflag:s4] =	ssyncset.done $0x0  }
.LBB2_1:
0x1b: {  	p0 =	sne.s32 s11, $0x1;
	s11 =	sadd.s32 $0xFFFFFFFF, s11;
	[sflag:s4] =	ssyncadd.s32 $0xFFFFC000  }
0x1c: {  	[tilespmem:s3], [sflag:$0x2] =	stream.linear.gather [hbm4b:s5+s3], $0x100, $0x38;
	[tilespmem:$0x4100] =	vst v63  }
0x1d: {  	_ =	swait.ge [sflag:s4], $0x100  }
0x1e: {  	[sflag:s4] =	ssyncset.done $0x0  }
0x1f: {  	[sflag:s4] =	ssyncadd.s32 $0xFFFFFF00  }
0x20: {  	[tilespmem:s7], [sflag:$0x1] =	stream.indirect.gather [hbm4b:s2+s6], $0x80, s3, s6, $0xb8;
	[tilespmem:$0x4100] =	vst v63  }
0x21: {  	_ =	swait.ge [sflag:s8], $0x4000  }
0x22: {  	[sflag:s8] =	ssyncset.done $0x0  }
0x23: {  	[sflag:s8] =	ssyncadd.s32 $0xFFFFC000  }
0x24: {  	[hbm4b:s9+s3] =	stream.linear.scatter [tilespmem:s7], [sflag:$0x2], $0x4000, $0x38;
	[tilespmem:$0x4100] =	vst v63  }
0x25: {  	_ =	swait.ge [sflag:s4], $0x4000  }
0x26: {  	[sflag:s4] =	ssyncset.done $0x0  }
0x27: {  	[sflag:s4] =	ssyncadd.s32 $0xFFFFC000  }
0x28: {  	[tilespmem:s7], [sflag:$0x1] =	stream.indirect.gather [hbm4b:s2+s6], $0x80, s6, s6, $0xb8;
	[tilespmem:$0x4100] =	vst v63  }
0x29: {  	_ =	swait.ge [sflag:s8], $0x4000  }
.Ltmp1:
0x2a: {  	[sflag:s8] =	ssyncset.done $0x0;
	(pc) =	sbr.rel @p0 .LBB2_1-.Ltmp1, $4  }
0x2b: {  	[sflag:s8] =	ssyncadd.s32 $0xFFFFC000  }
0x2c: {  	[hbm4b:s10+s3] =	stream.linear.scatter [tilespmem:s7], [sflag:$0x2], $0x4000, $0x38;
	[tilespmem:$0x4100] =	vst v63  }
0x2d: {  	_ =	swait.ge [sflag:s4], $0x4000  }
0x2e: {  	[sflag:s4] =	ssyncset.done $0x0  }
.LBB2_2:
0x2f: {  	[sflag:s4] =	ssyncadd.s32 $0xFFFFC000  }
0x30: {  	_ =	sfence.sel $0x180000  }
0x31: {  	[bflag:$0x0] =	sbarrier.arrive $0xFFFF  }
0x32: {  	p0 =	sne.s32 s1, $0x0;
	_ =	strace $0x90000047  }
0x33: {  	s0 =	sadd.s32 @!p0 $0x100000, s0;
	[bflag:$0x2] =	sbarrier.arrive $0xFFFF  }
0x34: {  	[sflag:s0] =	ssyncadd.tile.s32 @!p0 $0x1;
	_ =	shalt  }
.Lfunc_end2:
_tile_overlayer_lowered:
.L_overlay_start_2:
0x35: {  	(tag) =	ssettag $0x2  }
0x36: {  	s0 =	rddreg [dreg:$0x0];
	s2 =	stileid.u32  }
0x37: {  	s1 =	rddreg [dreg:$0x1];
	p0 =	sne.s32 s2, $0x0  }
0x38: {  	s3 =	rddreg [dreg:$0x2];
	[bflag:$0x3] =	sbarrier.arrive $0xFFFF;
	s2 =	simm.s32 @!p0 $0x1C02  }
0x39: {  	[timem:s3], [sflag:s2] =	dma.local @!p0 [hbm:s0], s1  }
0x3a: {  	s0 =	simm.s32 @!p0 $0x2  }
0x3b: {  	_ =	swait.ge @!p0 [sflag:s0], s1  }
0x3c: {  	s1 =	ssub.s32 @!p0 $0x0, s1;
	[sflag:s0] =	ssyncset.done @!p0 $0x0  }
0x3d: {  	[sflag:s0] =	ssyncadd.s32 @!p0 s1  }
0x3e: {  	[bflag:$0x3] =	sbarrier.arrive $0xFFFF  }
0x3f: {  	_ =	shalt  }

</sc_bundles>
